<compile_context>
chip_gen: v7x
topology: tpu7x:2x2x1
jax: 0.10.2.dev20260603
libtpu: 0.0.44.dev20260713+nightly
codegen_flags: <defaults>
</compile_context>

<pallas_src>
import functools

import jax
import jax.numpy as jnp
from jax import lax
from jax.experimental import pallas as pl
from jax.experimental.pallas import tpu as pltpu
from jax.experimental.pallas import tpu_sc as plsc

N = 100000
D = 128
NDOM = 16
NC = 2
NS = 16
L = 16
NW = NC * NS
C = 160
NCHUNK = N // C
NBUF = 3
SLOTS = 21
ROUNDS = SLOTS // NBUF
PF = 2
NCG = D // L

_mesh = plsc.VectorSubcoreMesh(core_axis_name="c", subcore_axis_name="s")


@functools.partial(
    pl.kernel,
    out_type=jax.ShapeDtypeStruct((N, D), jnp.float32),
    mesh=_mesh,
    compiler_params=pltpu.CompilerParams(needs_layout_passes=False),
    scratch_types=(
        [pltpu.VMEM((NBUF, C, D), jnp.float32)]
        + [pltpu.VMEM((NBUF, C, D), jnp.float32)]
        + [pltpu.VMEM((C,), jnp.int32)] * NBUF
        + [pltpu.VMEM((NDOM * D,), jnp.float32)]
        + [pltpu.SemaphoreType.DMA] * NBUF
        + [pltpu.SemaphoreType.DMA] * NBUF
    ),
)
def _align_prompt(emb_hbm, names_hbm, prompt_hbm, out_hbm,
                  emb_v, out_v, *rest):
    names_v = rest[:NBUF]
    prompt_v = rest[NBUF]
    in_sems = rest[NBUF + 1:NBUF + 1 + NBUF]
    out_sems = rest[NBUF + 1 + NBUF:]
    wid = lax.axis_index("s") * NC + lax.axis_index("c")

    iota = lax.iota(jnp.int32, L)
    cols = [iota + (c * L) for c in range(NCG)]

    def in_copy(b, k):
        base = k * C
        return (
            pltpu.make_async_copy(names_hbm.at[pl.ds(base, C)], names_v[b],
                                  in_sems[b]),
            pltpu.make_async_copy(emb_hbm.at[pl.ds(base, C), :], emb_v.at[b],
                                  in_sems[b]),
        )

    def out_copy(b, k):
        base = k * C
        return pltpu.make_async_copy(out_v.at[b],
                                     out_hbm.at[pl.ds(base, C), :],
                                     out_sems[b])

    def compute(b):
        nref = names_v[b]

        @plsc.parallel_loop(0, C, unroll=1)
        def _row(r):
            n16 = plsc.load_gather(nref, [jnp.full((L,), r, jnp.int32)])
            bvec = n16 * D
            for c in range(NCG):
                sel = plsc.load_gather(prompt_v, [bvec + cols[c]])
                x = emb_v[b, r, pl.ds(c * L, L)]
                out_v[b, r, pl.ds(c * L, L)] = x * sel

    for s in range(PF):
        for cp in in_copy(s, wid + NW * s):
            cp.start()
    pltpu.sync_copy(prompt_hbm, prompt_v)

    def ring_round(j, _):
        for b in range(NBUF):
            s = NBUF * j + b
            k = wid + NW * s

            @pl.when(k + PF * NW < NCHUNK)
            def _(b=b, k=k):
                for cp in in_copy((b + PF) % NBUF, k + PF * NW):
                    cp.start()

            @pl.when(s >= NBUF)
            def _(b=b, k=k):
                out_copy(b, k - NBUF * NW).wait()

            @pl.when(k < NCHUNK)
            def _(b=b, k=k):
                for cp in in_copy(b, k):
                    cp.wait()
                compute(b)
                out_copy(b, k).start()
        return 0

    lax.fori_loop(0, ROUNDS, ring_round, 0, unroll=False)

    for s in range(SLOTS - NBUF, SLOTS):
        k = wid + NW * s

        @pl.when(k < NCHUNK)
        def _(s=s, k=k):
            out_copy(s % NBUF, k).wait()


def kernel(graph_embedding, names, prompt):
    names_i = names.astype(jnp.int32)
    prompt_flat = prompt.reshape(-1)
    return _align_prompt(graph_embedding, names_i, prompt_flat)

# --- scband reference (transcript-rebuilt; emitter-appended) ---
"""Pipeline reference for scband-align-prompt-38439957299936 (READ-ONLY COPY).

The authoritative reference and input builder live on the scoring server;
editing this copy changes nothing except your own understanding.
"""

import jax, jax.numpy as jnp
import numpy as np

NUM_NODES = 100000
HIDDEN_DIM = 128
NUM_DOMAINS = 16

def setup_inputs(seed: int = 0) -> dict:
    key = jax.random.key(seed)
    k1, k2, k3 = jax.random.split(key, 3)
    graph_embedding = jax.random.normal(k1, (NUM_NODES, HIDDEN_DIM), dtype=jnp.float32)
    names = jax.random.randint(k2, (NUM_NODES,), 0, NUM_DOMAINS, dtype=jnp.int64 if jax.config.jax_enable_x64 else jnp.int32)
    # xavier_uniform init for prompt [NUM_DOMAINS, HIDDEN_DIM]
    bound = float(np.sqrt(6.0 / (NUM_DOMAINS + HIDDEN_DIM)))
    prompt = jax.random.uniform(k3, (NUM_DOMAINS, HIDDEN_DIM), minval=-bound, maxval=bound, dtype=jnp.float32)
    return {"graph_embedding": graph_embedding, "names": names, "prompt": prompt}

def reference(graph_embedding, names, prompt):
    # names are already integer domain ids (domain_id maps name i -> id i)
    selected_prompt = jnp.take(prompt, names, axis=0)  # [num_nodes, hidden_dim]
    # combinetype == 'mul'
    out = graph_embedding * selected_prompt
    return out

if __name__ == "__main__":
    import jax
    _d = setup_inputs()
    print(jax.jit(kernel)(*tuple(_d.values())))

</pallas_src>

<mosaic_0001>
#map = affine_map<(d0, d1) -> (0, 0)>
#map1 = affine_map<(d0, d1) -> (0)>
module attributes {stable_mosaic.version = 14 : i64} {
  func.func @_align_prompt(%arg0: i32, %arg1: i32, %arg2: memref<100000x128xf32, #tpu.memory_space<hbm>>, %arg3: memref<100000xi32, #tpu.memory_space<hbm>>, %arg4: memref<2048xf32, #tpu.memory_space<hbm>>, %arg5: memref<100000x128xf32, #tpu.memory_space<hbm>>, %arg6: memref<3x160x128xf32, #tpu.memory_space<vmem>>, %arg7: memref<3x160x128xf32, #tpu.memory_space<vmem>>, %arg8: memref<160xi32, #tpu.memory_space<vmem>>, %arg9: memref<160xi32, #tpu.memory_space<vmem>>, %arg10: memref<160xi32, #tpu.memory_space<vmem>>, %arg11: memref<2048xf32, #tpu.memory_space<vmem>>, %arg12: memref<!tpu.dma_semaphore, #tpu.memory_space<semaphore_mem>>, %arg13: memref<!tpu.dma_semaphore, #tpu.memory_space<semaphore_mem>>, %arg14: memref<!tpu.dma_semaphore, #tpu.memory_space<semaphore_mem>>, %arg15: memref<!tpu.dma_semaphore, #tpu.memory_space<semaphore_mem>>, %arg16: memref<!tpu.dma_semaphore, #tpu.memory_space<semaphore_mem>>, %arg17: memref<!tpu.dma_semaphore, #tpu.memory_space<semaphore_mem>>) attributes {dimension_semantics = [#tpu.dimension_semantics<core_parallel>, #tpu.dimension_semantics<subcore_parallel>], iteration_bounds = array<i64: 2, 16>, scalar_prefetch = 0 : i64, scratch_operands = 12 : i64, tpu.core_type = #tpu.core_type<sc_vector_subcore>, window_params = [{transform_indices = #map}, {transform_indices = #map1}, {transform_indices = #map1}, {transform_indices = #map}]} {
    %mul3A = arith.constant 2 : i32
    %mul3A_0 = arith.muli %arg1, %mul3A : i32
    %add3A = arith.addi %mul3A_0, %arg0 : i32
    %iota3A = tpu.iota {dimensions = array<i32: 0>} : vector<16xi32>
    %add3A_1 = arith.constant 0 : i32
    %add3A_2 = vector.broadcast %add3A_1 : i32 to vector<16xi32>
    %add3A_3 = arith.addi %iota3A, %add3A_2 : vector<16xi32>
    %add3A_4 = arith.constant 16 : i32
    %add3A_5 = vector.broadcast %add3A_4 : i32 to vector<16xi32>
    %add3A_6 = arith.addi %iota3A, %add3A_5 : vector<16xi32>
    %add3A_7 = arith.constant 32 : i32
    %add3A_8 = vector.broadcast %add3A_7 : i32 to vector<16xi32>
    %add3A_9 = arith.addi %iota3A, %add3A_8 : vector<16xi32>
    %add3A_10 = arith.constant 48 : i32
    %add3A_11 = vector.broadcast %add3A_10 : i32 to vector<16xi32>
    %add3A_12 = arith.addi %iota3A, %add3A_11 : vector<16xi32>
    %add3A_13 = arith.constant 64 : i32
    %add3A_14 = vector.broadcast %add3A_13 : i32 to vector<16xi32>
    %add3A_15 = arith.addi %iota3A, %add3A_14 : vector<16xi32>
    %add3A_16 = arith.constant 80 : i32
    %add3A_17 = vector.broadcast %add3A_16 : i32 to vector<16xi32>
    %add3A_18 = arith.addi %iota3A, %add3A_17 : vector<16xi32>
    %add3A_19 = arith.constant 96 : i32
    %add3A_20 = vector.broadcast %add3A_19 : i32 to vector<16xi32>
    %add3A_21 = arith.addi %iota3A, %add3A_20 : vector<16xi32>
    %add3A_22 = arith.constant 112 : i32
    %add3A_23 = vector.broadcast %add3A_22 : i32 to vector<16xi32>
    %add3A_24 = arith.addi %iota3A, %add3A_23 : vector<16xi32>
    %add3A_25 = arith.constant 0 : i32
    %add3A_26 = arith.addi %add3A, %add3A_25 : i32
    %mul3A_27 = arith.constant 160 : i32
    %mul3A_28 = arith.muli %add3A_26, %mul3A_27 : i32
    %dma_start3A = tpu.memref_slice %arg3[%mul3A_28] : memref<100000xi32, #tpu.memory_space<hbm>> -> memref<160xi32, #tpu.memory_space<hbm>>
    %dma_start3A_29 = tpu.memref_slice %arg3[%mul3A_28] : memref<100000xi32, #tpu.memory_space<hbm>> -> memref<160xi32, #tpu.memory_space<hbm>>
    tpu.enqueue_dma source(%dma_start3A_29 : memref<160xi32, #tpu.memory_space<hbm>>) target(%arg8 : memref<160xi32, #tpu.memory_space<vmem>>) target_semaphore(%arg12 : memref<!tpu.dma_semaphore, #tpu.memory_space<semaphore_mem>>)
    %dma_start3A_30 = arith.constant 0 : i32
    %dma_start3A_31 = arith.constant 0 : i32
    %dma_start3A_32 = arith.constant 0 : i32
    %dma_start3A_33 = tpu.memref_slice %arg6[%dma_start3A_30, %dma_start3A_31, %dma_start3A_32] : memref<3x160x128xf32, #tpu.memory_space<vmem>> -> memref<1x160x128xf32, #tpu.memory_space<vmem>>
    %dma_start3A_34 = tpu.memref_squeeze %dma_start3A_33 : memref<1x160x128xf32, #tpu.memory_space<vmem>> -> memref<160x128xf32, #tpu.memory_space<vmem>>
    %dma_start3A_35 = arith.constant 0 : i32
    %dma_start3A_36 = tpu.memref_slice %arg2[%mul3A_28, %dma_start3A_35] : memref<100000x128xf32, #tpu.memory_space<hbm>> -> memref<160x128xf32, #tpu.memory_space<hbm>>
    %dma_start3A_37 = arith.constant 0 : i32
    %dma_start3A_38 = arith.constant 0 : i32
    %dma_start3A_39 = tpu.memref_slice %arg6[%dma_start3A_30, %dma_start3A_37, %dma_start3A_38] : memref<3x160x128xf32, #tpu.memory_space<vmem>> -> memref<1x160x128xf32, #tpu.memory_space<vmem>>
    %dma_start3A_40 = tpu.memref_squeeze %dma_start3A_39 : memref<1x160x128xf32, #tpu.memory_space<vmem>> -> memref<160x128xf32, #tpu.memory_space<vmem>>
    %dma_start3A_41 = arith.constant 0 : i32
    %dma_start3A_42 = tpu.memref_slice %arg2[%mul3A_28, %dma_start3A_41] : memref<100000x128xf32, #tpu.memory_space<hbm>> -> memref<160x128xf32, #tpu.memory_space<hbm>>
    tpu.enqueue_dma source(%dma_start3A_42 : memref<160x128xf32, #tpu.memory_space<hbm>>) target(%dma_start3A_40 : memref<160x128xf32, #tpu.memory_space<vmem>>) target_semaphore(%arg12 : memref<!tpu.dma_semaphore, #tpu.memory_space<semaphore_mem>>)
    %add3A_43 = arith.constant 32 : i32
    %add3A_44 = arith.addi %add3A, %add3A_43 : i32
    %mul3A_45 = arith.constant 160 : i32
    %mul3A_46 = arith.muli %add3A_44, %mul3A_45 : i32
    %dma_start3A_47 = tpu.memref_slice %arg3[%mul3A_46] : memref<100000xi32, #tpu.memory_space<hbm>> -> memref<160xi32, #tpu.memory_space<hbm>>
    %dma_start3A_48 = tpu.memref_slice %arg3[%mul3A_46] : memref<100000xi32, #tpu.memory_space<hbm>> -> memref<160xi32, #tpu.memory_space<hbm>>
    tpu.enqueue_dma source(%dma_start3A_48 : memref<160xi32, #tpu.memory_space<hbm>>) target(%arg9 : memref<160xi32, #tpu.memory_space<vmem>>) target_semaphore(%arg13 : memref<!tpu.dma_semaphore, #tpu.memory_space<semaphore_mem>>)
    %dma_start3A_49 = arith.constant 1 : i32
    %dma_start3A_50 = arith.constant 0 : i32
    %dma_start3A_51 = arith.constant 0 : i32
    %dma_start3A_52 = tpu.memref_slice %arg6[%dma_start3A_49, %dma_start3A_50, %dma_start3A_51] : memref<3x160x128xf32, #tpu.memory_space<vmem>> -> memref<1x160x128xf32, #tpu.memory_space<vmem>>
    %dma_start3A_53 = tpu.memref_squeeze %dma_start3A_52 : memref<1x160x128xf32, #tpu.memory_space<vmem>> -> memref<160x128xf32, #tpu.memory_space<vmem>>
    %dma_start3A_54 = arith.constant 0 : i32
    %dma_start3A_55 = tpu.memref_slice %arg2[%mul3A_46, %dma_start3A_54] : memref<100000x128xf32, #tpu.memory_space<hbm>> -> memref<160x128xf32, #tpu.memory_space<hbm>>
    %dma_start3A_56 = arith.constant 0 : i32
    %dma_start3A_57 = arith.constant 0 : i32
    %dma_start3A_58 = tpu.memref_slice %arg6[%dma_start3A_49, %dma_start3A_56, %dma_start3A_57] : memref<3x160x128xf32, #tpu.memory_space<vmem>> -> memref<1x160x128xf32, #tpu.memory_space<vmem>>
    %dma_start3A_59 = tpu.memref_squeeze %dma_start3A_58 : memref<1x160x128xf32, #tpu.memory_space<vmem>> -> memref<160x128xf32, #tpu.memory_space<vmem>>
    %dma_start3A_60 = arith.constant 0 : i32
    %dma_start3A_61 = tpu.memref_slice %arg2[%mul3A_46, %dma_start3A_60] : memref<100000x128xf32, #tpu.memory_space<hbm>> -> memref<160x128xf32, #tpu.memory_space<hbm>>
    tpu.enqueue_dma source(%dma_start3A_61 : memref<160x128xf32, #tpu.memory_space<hbm>>) target(%dma_start3A_59 : memref<160x128xf32, #tpu.memory_space<vmem>>) target_semaphore(%arg13 : memref<!tpu.dma_semaphore, #tpu.memory_space<semaphore_mem>>)
    "tpu.region"() ({
      %run_scoped3A = tpu.sem_alloc : memref<!tpu.dma_semaphore, #tpu.memory_space<semaphore_mem>>
      tpu.enqueue_dma source(%arg4 : memref<2048xf32, #tpu.memory_space<hbm>>) target(%arg11 : memref<2048xf32, #tpu.memory_space<vmem>>) target_semaphore(%run_scoped3A : memref<!tpu.dma_semaphore, #tpu.memory_space<semaphore_mem>>)
      tpu.wait_dma2 semaphore(%run_scoped3A : memref<!tpu.dma_semaphore, #tpu.memory_space<semaphore_mem>>) src(%arg4 : memref<2048xf32, #tpu.memory_space<hbm>>) dst(%arg11 : memref<2048xf32, #tpu.memory_space<vmem>>)
      tpu.yield
    }) : () -> ()
    %scan3A = arith.constant 0 : i32
    %scan3A_62 = arith.constant 0 : i32
    %scan3A_63 = arith.constant 7 : i32
    %scan3A_64 = arith.addi %scan3A_62, %scan3A_63 : i32
    %scan3A_65 = arith.constant 1 : i32
    %scan3A_66 = scf.for %scan3A_86 = %scan3A_62 to %scan3A_64 step %scan3A_65 iter_args(%scan3A_87 = %scan3A) -> (i32)  : i32 {
      %mul3A_88 = arith.constant 3 : i32
      %mul3A_89 = arith.muli %mul3A_88, %scan3A_86 : i32
      %add3A_90 = arith.constant 0 : i32
      %add3A_91 = arith.addi %mul3A_89, %add3A_90 : i32
      %mul3A_92 = arith.constant 32 : i32
      %mul3A_93 = arith.muli %mul3A_92, %add3A_91 : i32
      %add3A_94 = arith.addi %add3A, %mul3A_93 : i32
      %add3A_95 = arith.constant 64 : i32
      %add3A_96 = arith.addi %add3A_94, %add3A_95 : i32
      %lt3A_97 = arith.constant 625 : i32
      %lt3A_98 = arith.cmpi slt, %add3A_96, %lt3A_97 : i32
      %convert_element_type3A_99 = arith.extui %lt3A_98 : i1 to i32
      %cond3A_100 = arith.constant 0 : i32
      %cond3A_101 = arith.cmpi ne, %convert_element_type3A_99, %cond3A_100 : i32
      scf.if %cond3A_101 {
        %add3A_160 = arith.constant 64 : i32
        %add3A_161 = arith.addi %add3A_94, %add3A_160 : i32
        %mul3A_162 = arith.constant 160 : i32
        %mul3A_163 = arith.muli %add3A_161, %mul3A_162 : i32
        %dma_start3A_164 = tpu.memref_slice %arg3[%mul3A_163] : memref<100000xi32, #tpu.memory_space<hbm>> -> memref<160xi32, #tpu.memory_space<hbm>>
        %dma_start3A_165 = tpu.memref_slice %arg3[%mul3A_163] : memref<100000xi32, #tpu.memory_space<hbm>> -> memref<160xi32, #tpu.memory_space<hbm>>
        tpu.enqueue_dma source(%dma_start3A_165 : memref<160xi32, #tpu.memory_space<hbm>>) target(%arg10 : memref<160xi32, #tpu.memory_space<vmem>>) target_semaphore(%arg14 : memref<!tpu.dma_semaphore, #tpu.memory_space<semaphore_mem>>)
        %dma_start3A_166 = arith.constant 2 : i32
        %dma_start3A_167 = arith.constant 0 : i32
        %dma_start3A_168 = arith.constant 0 : i32
        %dma_start3A_169 = tpu.memref_slice %arg6[%dma_start3A_166, %dma_start3A_167, %dma_start3A_168] : memref<3x160x128xf32, #tpu.memory_space<vmem>> -> memref<1x160x128xf32, #tpu.memory_space<vmem>>
        %dma_start3A_170 = tpu.memref_squeeze %dma_start3A_169 : memref<1x160x128xf32, #tpu.memory_space<vmem>> -> memref<160x128xf32, #tpu.memory_space<vmem>>
        %dma_start3A_171 = arith.constant 0 : i32
        %dma_start3A_172 = tpu.memref_slice %arg2[%mul3A_163, %dma_start3A_171] : memref<100000x128xf32, #tpu.memory_space<hbm>> -> memref<160x128xf32, #tpu.memory_space<hbm>>
        %dma_start3A_173 = arith.constant 0 : i32
        %dma_start3A_174 = arith.constant 0 : i32
        %dma_start3A_175 = tpu.memref_slice %arg6[%dma_start3A_166, %dma_start3A_173, %dma_start3A_174] : memref<3x160x128xf32, #tpu.memory_space<vmem>> -> memref<1x160x128xf32, #tpu.memory_space<vmem>>
        %dma_start3A_176 = tpu.memref_squeeze %dma_start3A_175 : memref<1x160x128xf32, #tpu.memory_space<vmem>> -> memref<160x128xf32, #tpu.memory_space<vmem>>
        %dma_start3A_177 = arith.constant 0 : i32
        %dma_start3A_178 = tpu.memref_slice %arg2[%mul3A_163, %dma_start3A_177] : memref<100000x128xf32, #tpu.memory_space<hbm>> -> memref<160x128xf32, #tpu.memory_space<hbm>>
        tpu.enqueue_dma source(%dma_start3A_178 : memref<160x128xf32, #tpu.memory_space<hbm>>) target(%dma_start3A_176 : memref<160x128xf32, #tpu.memory_space<vmem>>) target_semaphore(%arg14 : memref<!tpu.dma_semaphore, #tpu.memory_space<semaphore_mem>>)
      } else {
      }
      %ge3A = arith.constant 3 : i32
      %ge3A_102 = arith.cmpi sge, %add3A_91, %ge3A : i32
      %convert_element_type3A_103 = arith.extui %ge3A_102 : i1 to i32
      %cond3A_104 = arith.constant 0 : i32
      %cond3A_105 = arith.cmpi ne, %convert_element_type3A_103, %cond3A_104 : i32
      scf.if %cond3A_105 {
        %sub3A = arith.constant 96 : i32
        %sub3A_160 = arith.subi %add3A_94, %sub3A : i32
        %mul3A_161 = arith.constant 160 : i32
        %mul3A_162 = arith.muli %sub3A_160, %mul3A_161 : i32
        %dma_wait3A = arith.constant 0 : i32
        %dma_wait3A_163 = arith.constant 0 : i32
        %dma_wait3A_164 = arith.constant 0 : i32
        %dma_wait3A_165 = tpu.memref_slice %arg7[%dma_wait3A, %dma_wait3A_163, %dma_wait3A_164] : memref<3x160x128xf32, #tpu.memory_space<vmem>> -> memref<1x160x128xf32, #tpu.memory_space<vmem>>
        %dma_wait3A_166 = tpu.memref_squeeze %dma_wait3A_165 : memref<1x160x128xf32, #tpu.memory_space<vmem>> -> memref<160x128xf32, #tpu.memory_space<vmem>>
        %dma_wait3A_167 = arith.constant 0 : i32
        %dma_wait3A_168 = tpu.memref_slice %arg5[%mul3A_162, %dma_wait3A_167] : memref<100000x128xf32, #tpu.memory_space<hbm>> -> memref<160x128xf32, #tpu.memory_space<hbm>>
        %dma_wait3A_169 = arith.constant 0 : i32
        %dma_wait3A_170 = tpu.memref_slice %arg5[%mul3A_162, %dma_wait3A_169] : memref<100000x128xf32, #tpu.memory_space<hbm>> -> memref<160x128xf32, #tpu.memory_space<hbm>>
        %dma_wait3A_171 = arith.constant 0 : i32
        %dma_wait3A_172 = arith.constant 0 : i32
        %dma_wait3A_173 = tpu.memref_slice %arg7[%dma_wait3A, %dma_wait3A_171, %dma_wait3A_172] : memref<3x160x128xf32, #tpu.memory_space<vmem>> -> memref<1x160x128xf32, #tpu.memory_space<vmem>>
        %dma_wait3A_174 = tpu.memref_squeeze %dma_wait3A_173 : memref<1x160x128xf32, #tpu.memory_space<vmem>> -> memref<160x128xf32, #tpu.memory_space<vmem>>
        tpu.wait_dma2 semaphore(%arg15 : memref<!tpu.dma_semaphore, #tpu.memory_space<semaphore_mem>>) src(%dma_wait3A_174 : memref<160x128xf32, #tpu.memory_space<vmem>>) dst(%dma_wait3A_170 : memref<160x128xf32, #tpu.memory_space<hbm>>)
      } else {
      }
      %lt3A_106 = arith.constant 625 : i32
      %lt3A_107 = arith.cmpi slt, %add3A_94, %lt3A_106 : i32
      %convert_element_type3A_108 = arith.extui %lt3A_107 : i1 to i32
      %cond3A_109 = arith.constant 0 : i32
      %cond3A_110 = arith.cmpi ne, %convert_element_type3A_108, %cond3A_109 : i32
      scf.if %cond3A_110 {
        %mul3A_160 = arith.constant 160 : i32
        %mul3A_161 = arith.muli %add3A_94, %mul3A_160 : i32
        %dma_wait3A = tpu.memref_slice %arg3[%mul3A_161] : memref<100000xi32, #tpu.memory_space<hbm>> -> memref<160xi32, #tpu.memory_space<hbm>>
        %dma_wait3A_162 = tpu.memref_slice %arg3[%mul3A_161] : memref<100000xi32, #tpu.memory_space<hbm>> -> memref<160xi32, #tpu.memory_space<hbm>>
        tpu.wait_dma2 semaphore(%arg12 : memref<!tpu.dma_semaphore, #tpu.memory_space<semaphore_mem>>) src(%dma_wait3A_162 : memref<160xi32, #tpu.memory_space<hbm>>) dst(%arg8 : memref<160xi32, #tpu.memory_space<vmem>>)
        %dma_wait3A_163 = arith.constant 0 : i32
        %dma_wait3A_164 = arith.constant 0 : i32
        %dma_wait3A_165 = arith.constant 0 : i32
        %dma_wait3A_166 = tpu.memref_slice %arg6[%dma_wait3A_163, %dma_wait3A_164, %dma_wait3A_165] : memref<3x160x128xf32, #tpu.memory_space<vmem>> -> memref<1x160x128xf32, #tpu.memory_space<vmem>>
        %dma_wait3A_167 = tpu.memref_squeeze %dma_wait3A_166 : memref<1x160x128xf32, #tpu.memory_space<vmem>> -> memref<160x128xf32, #tpu.memory_space<vmem>>
        %dma_wait3A_168 = arith.constant 0 : i32
        %dma_wait3A_169 = tpu.memref_slice %arg2[%mul3A_161, %dma_wait3A_168] : memref<100000x128xf32, #tpu.memory_space<hbm>> -> memref<160x128xf32, #tpu.memory_space<hbm>>
        %dma_wait3A_170 = arith.constant 0 : i32
        %dma_wait3A_171 = arith.constant 0 : i32
        %dma_wait3A_172 = tpu.memref_slice %arg6[%dma_wait3A_163, %dma_wait3A_170, %dma_wait3A_171] : memref<3x160x128xf32, #tpu.memory_space<vmem>> -> memref<1x160x128xf32, #tpu.memory_space<vmem>>
        %dma_wait3A_173 = tpu.memref_squeeze %dma_wait3A_172 : memref<1x160x128xf32, #tpu.memory_space<vmem>> -> memref<160x128xf32, #tpu.memory_space<vmem>>
        %dma_wait3A_174 = arith.constant 0 : i32
        %dma_wait3A_175 = tpu.memref_slice %arg2[%mul3A_161, %dma_wait3A_174] : memref<100000x128xf32, #tpu.memory_space<hbm>> -> memref<160x128xf32, #tpu.memory_space<hbm>>
        tpu.wait_dma2 semaphore(%arg12 : memref<!tpu.dma_semaphore, #tpu.memory_space<semaphore_mem>>) src(%dma_wait3A_175 : memref<160x128xf32, #tpu.memory_space<hbm>>) dst(%dma_wait3A_173 : memref<160x128xf32, #tpu.memory_space<vmem>>)
        %parallel_loop3A = arith.constant 0 : i32
        %parallel_loop3A_176 = arith.constant 160 : i32
        %parallel_loop3A_177 = arith.constant 1 : i32
        scf.for %parallel_loop3A_193 = %parallel_loop3A to %parallel_loop3A_176 step %parallel_loop3A_177  : i32 {
          %parallel_loop3A_194 = vector.broadcast %parallel_loop3A_193 : i32 to vector<16xi32>
          %parallel_loop3A_195 = tpu.vector_load_idx %arg8[%parallel_loop3A_194] : memref<160xi32, #tpu.memory_space<vmem>>[vector<16xi32>], vector<16xi32>,
          %parallel_loop3A_196 = arith.constant 128 : i32
          %parallel_loop3A_197 = vector.broadcast %parallel_loop3A_196 : i32 to vector<16xi32>
          %parallel_loop3A_198 = arith.muli %parallel_loop3A_195, %parallel_loop3A_197 : vector<16xi32>
          %parallel_loop3A_199 = arith.addi %parallel_loop3A_198, %add3A_3 : vector<16xi32>
          %parallel_loop3A_200 = tpu.vector_load_idx %arg11[%parallel_loop3A_199] : memref<2048xf32, #tpu.memory_space<vmem>>[vector<16xi32>], vector<16xf32>,
          %parallel_loop3A_201 = arith.constant 0 : i32
          %parallel_loop3A_202 = arith.index_cast %parallel_loop3A_201 : i32 to index
          %parallel_loop3A_203 = arith.index_cast %parallel_loop3A_193 : i32 to index
          %parallel_loop3A_204 = arith.constant 0 : index
          %parallel_loop3A_205 = tpu.vector_load %arg6[%parallel_loop3A_202, %parallel_loop3A_203, %parallel_loop3A_204] {strides = array<i32>} : memref<3x160x128xf32, #tpu.memory_space<vmem>>, vector<16xf32>,
          %parallel_loop3A_206 = arith.mulf %parallel_loop3A_205, %parallel_loop3A_200 : vector<16xf32>
          %parallel_loop3A_207 = arith.constant 0 : i32
          %parallel_loop3A_208 = arith.index_cast %parallel_loop3A_207 : i32 to index
          %parallel_loop3A_209 = arith.index_cast %parallel_loop3A_193 : i32 to index
          %parallel_loop3A_210 = arith.constant 0 : index
          %parallel_loop3A_211 = tpu.vector_load %arg7[%parallel_loop3A_208, %parallel_loop3A_209, %parallel_loop3A_210] {strides = array<i32>} : memref<3x160x128xf32, #tpu.memory_space<vmem>>, vector<16xf32>,
          tpu.vector_store %arg7[%parallel_loop3A_208, %parallel_loop3A_209, %parallel_loop3A_210], %parallel_loop3A_206 {strides = array<i32>} : memref<3x160x128xf32, #tpu.memory_space<vmem>>, vector<16xf32>,
          %parallel_loop3A_212 = arith.addi %parallel_loop3A_198, %add3A_6 : vector<16xi32>
          %parallel_loop3A_213 = tpu.vector_load_idx %arg11[%parallel_loop3A_212] : memref<2048xf32, #tpu.memory_space<vmem>>[vector<16xi32>], vector<16xf32>,
          %parallel_loop3A_214 = arith.constant 0 : i32
          %parallel_loop3A_215 = arith.index_cast %parallel_loop3A_214 : i32 to index
          %parallel_loop3A_216 = arith.index_cast %parallel_loop3A_193 : i32 to index
          %parallel_loop3A_217 = arith.constant 16 : index
          %parallel_loop3A_218 = tpu.vector_load %arg6[%parallel_loop3A_215, %parallel_loop3A_216, %parallel_loop3A_217] {strides = array<i32>} : memref<3x160x128xf32, #tpu.memory_space<vmem>>, vector<16xf32>,
          %parallel_loop3A_219 = arith.mulf %parallel_loop3A_218, %parallel_loop3A_213 : vector<16xf32>
          %parallel_loop3A_220 = arith.constant 0 : i32
          %parallel_loop3A_221 = arith.index_cast %parallel_loop3A_220 : i32 to index
          %parallel_loop3A_222 = arith.index_cast %parallel_loop3A_193 : i32 to index
          %parallel_loop3A_223 = arith.constant 16 : index
          %parallel_loop3A_224 = tpu.vector_load %arg7[%parallel_loop3A_221, %parallel_loop3A_222, %parallel_loop3A_223] {strides = array<i32>} : memref<3x160x128xf32, #tpu.memory_space<vmem>>, vector<16xf32>,
          tpu.vector_store %arg7[%parallel_loop3A_221, %parallel_loop3A_222, %parallel_loop3A_223], %parallel_loop3A_219 {strides = array<i32>} : memref<3x160x128xf32, #tpu.memory_space<vmem>>, vector<16xf32>,
          %parallel_loop3A_225 = arith.addi %parallel_loop3A_198, %add3A_9 : vector<16xi32>
          %parallel_loop3A_226 = tpu.vector_load_idx %arg11[%parallel_loop3A_225] : memref<2048xf32, #tpu.memory_space<vmem>>[vector<16xi32>], vector<16xf32>,
          %parallel_loop3A_227 = arith.constant 0 : i32
          %parallel_loop3A_228 = arith.index_cast %parallel_loop3A_227 : i32 to index
          %parallel_loop3A_229 = arith.index_cast %parallel_loop3A_193 : i32 to index
          %parallel_loop3A_230 = arith.constant 32 : index
          %parallel_loop3A_231 = tpu.vector_load %arg6[%parallel_loop3A_228, %parallel_loop3A_229, %parallel_loop3A_230] {strides = array<i32>} : memref<3x160x128xf32, #tpu.memory_space<vmem>>, vector<16xf32>,
          %parallel_loop3A_232 = arith.mulf %parallel_loop3A_231, %parallel_loop3A_226 : vector<16xf32>
          %parallel_loop3A_233 = arith.constant 0 : i32
          %parallel_loop3A_234 = arith.index_cast %parallel_loop3A_233 : i32 to index
          %parallel_loop3A_235 = arith.index_cast %parallel_loop3A_193 : i32 to index
          %parallel_loop3A_236 = arith.constant 32 : index
          %parallel_loop3A_237 = tpu.vector_load %arg7[%parallel_loop3A_234, %parallel_loop3A_235, %parallel_loop3A_236] {strides = array<i32>} : memref<3x160x128xf32, #tpu.memory_space<vmem>>, vector<16xf32>,
          tpu.vector_store %arg7[%parallel_loop3A_234, %parallel_loop3A_235, %parallel_loop3A_236], %parallel_loop3A_232 {strides = array<i32>} : memref<3x160x128xf32, #tpu.memory_space<vmem>>, vector<16xf32>,
          %parallel_loop3A_238 = arith.addi %parallel_loop3A_198, %add3A_12 : vector<16xi32>
          %parallel_loop3A_239 = tpu.vector_load_idx %arg11[%parallel_loop3A_238] : memref<2048xf32, #tpu.memory_space<vmem>>[vector<16xi32>], vector<16xf32>,
          %parallel_loop3A_240 = arith.constant 0 : i32
          %parallel_loop3A_241 = arith.index_cast %parallel_loop3A_240 : i32 to index
          %parallel_loop3A_242 = arith.index_cast %parallel_loop3A_193 : i32 to index
          %parallel_loop3A_243 = arith.constant 48 : index
          %parallel_loop3A_244 = tpu.vector_load %arg6[%parallel_loop3A_241, %parallel_loop3A_242, %parallel_loop3A_243] {strides = array<i32>} : memref<3x160x128xf32, #tpu.memory_space<vmem>>, vector<16xf32>,
          %parallel_loop3A_245 = arith.mulf %parallel_loop3A_244, %parallel_loop3A_239 : vector<16xf32>
          %parallel_loop3A_246 = arith.constant 0 : i32
          %parallel_loop3A_247 = arith.index_cast %parallel_loop3A_246 : i32 to index
          %parallel_loop3A_248 = arith.index_cast %parallel_loop3A_193 : i32 to index
          %parallel_loop3A_249 = arith.constant 48 : index
          %parallel_loop3A_250 = tpu.vector_load %arg7[%parallel_loop3A_247, %parallel_loop3A_248, %parallel_loop3A_249] {strides = array<i32>} : memref<3x160x128xf32, #tpu.memory_space<vmem>>, vector<16xf32>,
          tpu.vector_store %arg7[%parallel_loop3A_247, %parallel_loop3A_248, %parallel_loop3A_249], %parallel_loop3A_245 {strides = array<i32>} : memref<3x160x128xf32, #tpu.memory_space<vmem>>, vector<16xf32>,
          %parallel_loop3A_251 = arith.addi %parallel_loop3A_198, %add3A_15 : vector<16xi32>
          %parallel_loop3A_252 = tpu.vector_load_idx %arg11[%parallel_loop3A_251] : memref<2048xf32, #tpu.memory_space<vmem>>[vector<16xi32>], vector<16xf32>,
          %parallel_loop3A_253 = arith.constant 0 : i32
          %parallel_loop3A_254 = arith.index_cast %parallel_loop3A_253 : i32 to index
          %parallel_loop3A_255 = arith.index_cast %parallel_loop3A_193 : i32 to index
          %parallel_loop3A_256 = arith.constant 64 : index
          %parallel_loop3A_257 = tpu.vector_load %arg6[%parallel_loop3A_254, %parallel_loop3A_255, %parallel_loop3A_256] {strides = array<i32>} : memref<3x160x128xf32, #tpu.memory_space<vmem>>, vector<16xf32>,
          %parallel_loop3A_258 = arith.mulf %parallel_loop3A_257, %parallel_loop3A_252 : vector<16xf32>
          %parallel_loop3A_259 = arith.constant 0 : i32
          %parallel_loop3A_260 = arith.index_cast %parallel_loop3A_259 : i32 to index
          %parallel_loop3A_261 = arith.index_cast %parallel_loop3A_193 : i32 to index
          %parallel_loop3A_262 = arith.constant 64 : index
          %parallel_loop3A_263 = tpu.vector_load %arg7[%parallel_loop3A_260, %parallel_loop3A_261, %parallel_loop3A_262] {strides = array<i32>} : memref<3x160x128xf32, #tpu.memory_space<vmem>>, vector<16xf32>,
          tpu.vector_store %arg7[%parallel_loop3A_260, %parallel_loop3A_261, %parallel_loop3A_262], %parallel_loop3A_258 {strides = array<i32>} : memref<3x160x128xf32, #tpu.memory_space<vmem>>, vector<16xf32>,
          %parallel_loop3A_264 = arith.addi %parallel_loop3A_198, %add3A_18 : vector<16xi32>
          %parallel_loop3A_265 = tpu.vector_load_idx %arg11[%parallel_loop3A_264] : memref<2048xf32, #tpu.memory_space<vmem>>[vector<16xi32>], vector<16xf32>,
          %parallel_loop3A_266 = arith.constant 0 : i32
          %parallel_loop3A_267 = arith.index_cast %parallel_loop3A_266 : i32 to index
          %parallel_loop3A_268 = arith.index_cast %parallel_loop3A_193 : i32 to index
          %parallel_loop3A_269 = arith.constant 80 : index
          %parallel_loop3A_270 = tpu.vector_load %arg6[%parallel_loop3A_267, %parallel_loop3A_268, %parallel_loop3A_269] {strides = array<i32>} : memref<3x160x128xf32, #tpu.memory_space<vmem>>, vector<16xf32>,
          %parallel_loop3A_271 = arith.mulf %parallel_loop3A_270, %parallel_loop3A_265 : vector<16xf32>
          %parallel_loop3A_272 = arith.constant 0 : i32
          %parallel_loop3A_273 = arith.index_cast %parallel_loop3A_272 : i32 to index
          %parallel_loop3A_274 = arith.index_cast %parallel_loop3A_193 : i32 to index
          %parallel_loop3A_275 = arith.constant 80 : index
          %parallel_loop3A_276 = tpu.vector_load %arg7[%parallel_loop3A_273, %parallel_loop3A_274, %parallel_loop3A_275] {strides = array<i32>} : memref<3x160x128xf32, #tpu.memory_space<vmem>>, vector<16xf32>,
          tpu.vector_store %arg7[%parallel_loop3A_273, %parallel_loop3A_274, %parallel_loop3A_275], %parallel_loop3A_271 {strides = array<i32>} : memref<3x160x128xf32, #tpu.memory_space<vmem>>, vector<16xf32>,
          %parallel_loop3A_277 = arith.addi %parallel_loop3A_198, %add3A_21 : vector<16xi32>
          %parallel_loop3A_278 = tpu.vector_load_idx %arg11[%parallel_loop3A_277] : memref<2048xf32, #tpu.memory_space<vmem>>[vector<16xi32>], vector<16xf32>,
          %parallel_loop3A_279 = arith.constant 0 : i32
          %parallel_loop3A_280 = arith.index_cast %parallel_loop3A_279 : i32 to index
          %parallel_loop3A_281 = arith.index_cast %parallel_loop3A_193 : i32 to index
          %parallel_loop3A_282 = arith.constant 96 : index
          %parallel_loop3A_283 = tpu.vector_load %arg6[%parallel_loop3A_280, %parallel_loop3A_281, %parallel_loop3A_282] {strides = array<i32>} : memref<3x160x128xf32, #tpu.memory_space<vmem>>, vector<16xf32>,
          %parallel_loop3A_284 = arith.mulf %parallel_loop3A_283, %parallel_loop3A_278 : vector<16xf32>
          %parallel_loop3A_285 = arith.constant 0 : i32
          %parallel_loop3A_286 = arith.index_cast %parallel_loop3A_285 : i32 to index
          %parallel_loop3A_287 = arith.index_cast %parallel_loop3A_193 : i32 to index
          %parallel_loop3A_288 = arith.constant 96 : index
          %parallel_loop3A_289 = tpu.vector_load %arg7[%parallel_loop3A_286, %parallel_loop3A_287, %parallel_loop3A_288] {strides = array<i32>} : memref<3x160x128xf32, #tpu.memory_space<vmem>>, vector<16xf32>,
          tpu.vector_store %arg7[%parallel_loop3A_286, %parallel_loop3A_287, %parallel_loop3A_288], %parallel_loop3A_284 {strides = array<i32>} : memref<3x160x128xf32, #tpu.memory_space<vmem>>, vector<16xf32>,
          %parallel_loop3A_290 = arith.addi %parallel_loop3A_198, %add3A_24 : vector<16xi32>
          %parallel_loop3A_291 = tpu.vector_load_idx %arg11[%parallel_loop3A_290] : memref<2048xf32, #tpu.memory_space<vmem>>[vector<16xi32>], vector<16xf32>,
          %parallel_loop3A_292 = arith.constant 0 : i32
          %parallel_loop3A_293 = arith.index_cast %parallel_loop3A_292 : i32 to index
          %parallel_loop3A_294 = arith.index_cast %parallel_loop3A_193 : i32 to index
          %parallel_loop3A_295 = arith.constant 112 : index
          %parallel_loop3A_296 = tpu.vector_load %arg6[%parallel_loop3A_293, %parallel_loop3A_294, %parallel_loop3A_295] {strides = array<i32>} : memref<3x160x128xf32, #tpu.memory_space<vmem>>, vector<16xf32>,
          %parallel_loop3A_297 = arith.mulf %parallel_loop3A_296, %parallel_loop3A_291 : vector<16xf32>
          %parallel_loop3A_298 = arith.constant 0 : i32
          %parallel_loop3A_299 = arith.index_cast %parallel_loop3A_298 : i32 to index
          %parallel_loop3A_300 = arith.index_cast %parallel_loop3A_193 : i32 to index
          %parallel_loop3A_301 = arith.constant 112 : index
          %parallel_loop3A_302 = tpu.vector_load %arg7[%parallel_loop3A_299, %parallel_loop3A_300, %parallel_loop3A_301] {strides = array<i32>} : memref<3x160x128xf32, #tpu.memory_space<vmem>>, vector<16xf32>,
          tpu.vector_store %arg7[%parallel_loop3A_299, %parallel_loop3A_300, %parallel_loop3A_301], %parallel_loop3A_297 {strides = array<i32>} : memref<3x160x128xf32, #tpu.memory_space<vmem>>, vector<16xf32>,
        } {sc.loop_unroll_factor = 1 : i64, sc.parallel_access}
        %mul3A_178 = arith.constant 160 : i32
        %mul3A_179 = arith.muli %add3A_94, %mul3A_178 : i32
        %dma_start3A_180 = arith.constant 0 : i32
        %dma_start3A_181 = arith.constant 0 : i32
        %dma_start3A_182 = arith.constant 0 : i32
        %dma_start3A_183 = tpu.memref_slice %arg7[%dma_start3A_180, %dma_start3A_181, %dma_start3A_182] : memref<3x160x128xf32, #tpu.memory_space<vmem>> -> memref<1x160x128xf32, #tpu.memory_space<vmem>>
        %dma_start3A_184 = tpu.memref_squeeze %dma_start3A_183 : memref<1x160x128xf32, #tpu.memory_space<vmem>> -> memref<160x128xf32, #tpu.memory_space<vmem>>
        %dma_start3A_185 = arith.constant 0 : i32
        %dma_start3A_186 = tpu.memref_slice %arg5[%mul3A_179, %dma_start3A_185] : memref<100000x128xf32, #tpu.memory_space<hbm>> -> memref<160x128xf32, #tpu.memory_space<hbm>>
        %dma_start3A_187 = arith.constant 0 : i32
        %dma_start3A_188 = tpu.memref_slice %arg5[%mul3A_179, %dma_start3A_187] : memref<100000x128xf32, #tpu.memory_space<hbm>> -> memref<160x128xf32, #tpu.memory_space<hbm>>
        %dma_start3A_189 = arith.constant 0 : i32
        %dma_start3A_190 = arith.constant 0 : i32
        %dma_start3A_191 = tpu.memref_slice %arg7[%dma_start3A_180, %dma_start3A_189, %dma_start3A_190] : memref<3x160x128xf32, #tpu.memory_space<vmem>> -> memref<1x160x128xf32, #tpu.memory_space<vmem>>
        %dma_start3A_192 = tpu.memref_squeeze %dma_start3A_191 : memref<1x160x128xf32, #tpu.memory_space<vmem>> -> memref<160x128xf32, #tpu.memory_space<vmem>>
        tpu.enqueue_dma source(%dma_start3A_192 : memref<160x128xf32, #tpu.memory_space<vmem>>) target(%dma_start3A_188 : memref<160x128xf32, #tpu.memory_space<hbm>>) target_semaphore(%arg15 : memref<!tpu.dma_semaphore, #tpu.memory_space<semaphore_mem>>)
      } else {
      }
      %mul3A_111 = arith.constant 3 : i32
      %mul3A_112 = arith.muli %mul3A_111, %scan3A_86 : i32
      %add3A_113 = arith.constant 1 : i32
      %add3A_114 = arith.addi %mul3A_112, %add3A_113 : i32
      %mul3A_115 = arith.constant 32 : i32
      %mul3A_116 = arith.muli %mul3A_115, %add3A_114 : i32
      %add3A_117 = arith.addi %add3A, %mul3A_116 : i32
      %add3A_118 = arith.constant 64 : i32
      %add3A_119 = arith.addi %add3A_117, %add3A_118 : i32
      %lt3A_120 = arith.constant 625 : i32
      %lt3A_121 = arith.cmpi slt, %add3A_119, %lt3A_120 : i32
      %convert_element_type3A_122 = arith.extui %lt3A_121 : i1 to i32
      %cond3A_123 = arith.constant 0 : i32
      %cond3A_124 = arith.cmpi ne, %convert_element_type3A_122, %cond3A_123 : i32
      scf.if %cond3A_124 {
        %add3A_160 = arith.constant 64 : i32
        %add3A_161 = arith.addi %add3A_117, %add3A_160 : i32
        %mul3A_162 = arith.constant 160 : i32
        %mul3A_163 = arith.muli %add3A_161, %mul3A_162 : i32
        %dma_start3A_164 = tpu.memref_slice %arg3[%mul3A_163] : memref<100000xi32, #tpu.memory_space<hbm>> -> memref<160xi32, #tpu.memory_space<hbm>>
        %dma_start3A_165 = tpu.memref_slice %arg3[%mul3A_163] : memref<100000xi32, #tpu.memory_space<hbm>> -> memref<160xi32, #tpu.memory_space<hbm>>
        tpu.enqueue_dma source(%dma_start3A_165 : memref<160xi32, #tpu.memory_space<hbm>>) target(%arg8 : memref<160xi32, #tpu.memory_space<vmem>>) target_semaphore(%arg12 : memref<!tpu.dma_semaphore, #tpu.memory_space<semaphore_mem>>)
        %dma_start3A_166 = arith.constant 0 : i32
        %dma_start3A_167 = arith.constant 0 : i32
        %dma_start3A_168 = arith.constant 0 : i32
        %dma_start3A_169 = tpu.memref_slice %arg6[%dma_start3A_166, %dma_start3A_167, %dma_start3A_168] : memref<3x160x128xf32, #tpu.memory_space<vmem>> -> memref<1x160x128xf32, #tpu.memory_space<vmem>>
        %dma_start3A_170 = tpu.memref_squeeze %dma_start3A_169 : memref<1x160x128xf32, #tpu.memory_space<vmem>> -> memref<160x128xf32, #tpu.memory_space<vmem>>
        %dma_start3A_171 = arith.constant 0 : i32
        %dma_start3A_172 = tpu.memref_slice %arg2[%mul3A_163, %dma_start3A_171] : memref<100000x128xf32, #tpu.memory_space<hbm>> -> memref<160x128xf32, #tpu.memory_space<hbm>>
        %dma_start3A_173 = arith.constant 0 : i32
        %dma_start3A_174 = arith.constant 0 : i32
        %dma_start3A_175 = tpu.memref_slice %arg6[%dma_start3A_166, %dma_start3A_173, %dma_start3A_174] : memref<3x160x128xf32, #tpu.memory_space<vmem>> -> memref<1x160x128xf32, #tpu.memory_space<vmem>>
        %dma_start3A_176 = tpu.memref_squeeze %dma_start3A_175 : memref<1x160x128xf32, #tpu.memory_space<vmem>> -> memref<160x128xf32, #tpu.memory_space<vmem>>
        %dma_start3A_177 = arith.constant 0 : i32
        %dma_start3A_178 = tpu.memref_slice %arg2[%mul3A_163, %dma_start3A_177] : memref<100000x128xf32, #tpu.memory_space<hbm>> -> memref<160x128xf32, #tpu.memory_space<hbm>>
        tpu.enqueue_dma source(%dma_start3A_178 : memref<160x128xf32, #tpu.memory_space<hbm>>) target(%dma_start3A_176 : memref<160x128xf32, #tpu.memory_space<vmem>>) target_semaphore(%arg12 : memref<!tpu.dma_semaphore, #tpu.memory_space<semaphore_mem>>)
      } else {
      }
      %ge3A_125 = arith.constant 3 : i32
      %ge3A_126 = arith.cmpi sge, %add3A_114, %ge3A_125 : i32
      %convert_element_type3A_127 = arith.extui %ge3A_126 : i1 to i32
      %cond3A_128 = arith.constant 0 : i32
      %cond3A_129 = arith.cmpi ne, %convert_element_type3A_127, %cond3A_128 : i32
      scf.if %cond3A_129 {
        %sub3A = arith.constant 96 : i32
        %sub3A_160 = arith.subi %add3A_117, %sub3A : i32
        %mul3A_161 = arith.constant 160 : i32
        %mul3A_162 = arith.muli %sub3A_160, %mul3A_161 : i32
        %dma_wait3A = arith.constant 1 : i32
        %dma_wait3A_163 = arith.constant 0 : i32
        %dma_wait3A_164 = arith.constant 0 : i32
        %dma_wait3A_165 = tpu.memref_slice %arg7[%dma_wait3A, %dma_wait3A_163, %dma_wait3A_164] : memref<3x160x128xf32, #tpu.memory_space<vmem>> -> memref<1x160x128xf32, #tpu.memory_space<vmem>>
        %dma_wait3A_166 = tpu.memref_squeeze %dma_wait3A_165 : memref<1x160x128xf32, #tpu.memory_space<vmem>> -> memref<160x128xf32, #tpu.memory_space<vmem>>
        %dma_wait3A_167 = arith.constant 0 : i32
        %dma_wait3A_168 = tpu.memref_slice %arg5[%mul3A_162, %dma_wait3A_167] : memref<100000x128xf32, #tpu.memory_space<hbm>> -> memref<160x128xf32, #tpu.memory_space<hbm>>
        %dma_wait3A_169 = arith.constant 0 : i32
        %dma_wait3A_170 = tpu.memref_slice %arg5[%mul3A_162, %dma_wait3A_169] : memref<100000x128xf32, #tpu.memory_space<hbm>> -> memref<160x128xf32, #tpu.memory_space<hbm>>
        %dma_wait3A_171 = arith.constant 0 : i32
        %dma_wait3A_172 = arith.constant 0 : i32
        %dma_wait3A_173 = tpu.memref_slice %arg7[%dma_wait3A, %dma_wait3A_171, %dma_wait3A_172] : memref<3x160x128xf32, #tpu.memory_space<vmem>> -> memref<1x160x128xf32, #tpu.memory_space<vmem>>
        %dma_wait3A_174 = tpu.memref_squeeze %dma_wait3A_173 : memref<1x160x128xf32, #tpu.memory_space<vmem>> -> memref<160x128xf32, #tpu.memory_space<vmem>>
        tpu.wait_dma2 semaphore(%arg16 : memref<!tpu.dma_semaphore, #tpu.memory_space<semaphore_mem>>) src(%dma_wait3A_174 : memref<160x128xf32, #tpu.memory_space<vmem>>) dst(%dma_wait3A_170 : memref<160x128xf32, #tpu.memory_space<hbm>>)
      } else {
      }
      %lt3A_130 = arith.constant 625 : i32
      %lt3A_131 = arith.cmpi slt, %add3A_117, %lt3A_130 : i32
      %convert_element_type3A_132 = arith.extui %lt3A_131 : i1 to i32
      %cond3A_133 = arith.constant 0 : i32
      %cond3A_134 = arith.cmpi ne, %convert_element_type3A_132, %cond3A_133 : i32
      scf.if %cond3A_134 {
        %mul3A_160 = arith.constant 160 : i32
        %mul3A_161 = arith.muli %add3A_117, %mul3A_160 : i32
        %dma_wait3A = tpu.memref_slice %arg3[%mul3A_161] : memref<100000xi32, #tpu.memory_space<hbm>> -> memref<160xi32, #tpu.memory_space<hbm>>
        %dma_wait3A_162 = tpu.memref_slice %arg3[%mul3A_161] : memref<100000xi32, #tpu.memory_space<hbm>> -> memref<160xi32, #tpu.memory_space<hbm>>
        tpu.wait_dma2 semaphore(%arg13 : memref<!tpu.dma_semaphore, #tpu.memory_space<semaphore_mem>>) src(%dma_wait3A_162 : memref<160xi32, #tpu.memory_space<hbm>>) dst(%arg9 : memref<160xi32, #tpu.memory_space<vmem>>)
        %dma_wait3A_163 = arith.constant 1 : i32
        %dma_wait3A_164 = arith.constant 0 : i32
        %dma_wait3A_165 = arith.constant 0 : i32
        %dma_wait3A_166 = tpu.memref_slice %arg6[%dma_wait3A_163, %dma_wait3A_164, %dma_wait3A_165] : memref<3x160x128xf32, #tpu.memory_space<vmem>> -> memref<1x160x128xf32, #tpu.memory_space<vmem>>
        %dma_wait3A_167 = tpu.memref_squeeze %dma_wait3A_166 : memref<1x160x128xf32, #tpu.memory_space<vmem>> -> memref<160x128xf32, #tpu.memory_space<vmem>>
        %dma_wait3A_168 = arith.constant 0 : i32
        %dma_wait3A_169 = tpu.memref_slice %arg2[%mul3A_161, %dma_wait3A_168] : memref<100000x128xf32, #tpu.memory_space<hbm>> -> memref<160x128xf32, #tpu.memory_space<hbm>>
        %dma_wait3A_170 = arith.constant 0 : i32
        %dma_wait3A_171 = arith.constant 0 : i32
        %dma_wait3A_172 = tpu.memref_slice %arg6[%dma_wait3A_163, %dma_wait3A_170, %dma_wait3A_171] : memref<3x160x128xf32, #tpu.memory_space<vmem>> -> memref<1x160x128xf32, #tpu.memory_space<vmem>>
        %dma_wait3A_173 = tpu.memref_squeeze %dma_wait3A_172 : memref<1x160x128xf32, #tpu.memory_space<vmem>> -> memref<160x128xf32, #tpu.memory_space<vmem>>
        %dma_wait3A_174 = arith.constant 0 : i32
        %dma_wait3A_175 = tpu.memref_slice %arg2[%mul3A_161, %dma_wait3A_174] : memref<100000x128xf32, #tpu.memory_space<hbm>> -> memref<160x128xf32, #tpu.memory_space<hbm>>
        tpu.wait_dma2 semaphore(%arg13 : memref<!tpu.dma_semaphore, #tpu.memory_space<semaphore_mem>>) src(%dma_wait3A_175 : memref<160x128xf32, #tpu.memory_space<hbm>>) dst(%dma_wait3A_173 : memref<160x128xf32, #tpu.memory_space<vmem>>)
        %parallel_loop3A = arith.constant 0 : i32
        %parallel_loop3A_176 = arith.constant 160 : i32
        %parallel_loop3A_177 = arith.constant 1 : i32
        scf.for %parallel_loop3A_193 = %parallel_loop3A to %parallel_loop3A_176 step %parallel_loop3A_177  : i32 {
          %parallel_loop3A_194 = vector.broadcast %parallel_loop3A_193 : i32 to vector<16xi32>
          %parallel_loop3A_195 = tpu.vector_load_idx %arg9[%parallel_loop3A_194] : memref<160xi32, #tpu.memory_space<vmem>>[vector<16xi32>], vector<16xi32>,
          %parallel_loop3A_196 = arith.constant 128 : i32
          %parallel_loop3A_197 = vector.broadcast %parallel_loop3A_196 : i32 to vector<16xi32>
          %parallel_loop3A_198 = arith.muli %parallel_loop3A_195, %parallel_loop3A_197 : vector<16xi32>
          %parallel_loop3A_199 = arith.addi %parallel_loop3A_198, %add3A_3 : vector<16xi32>
          %parallel_loop3A_200 = tpu.vector_load_idx %arg11[%parallel_loop3A_199] : memref<2048xf32, #tpu.memory_space<vmem>>[vector<16xi32>], vector<16xf32>,
          %parallel_loop3A_201 = arith.constant 1 : i32
          %parallel_loop3A_202 = arith.index_cast %parallel_loop3A_201 : i32 to index
          %parallel_loop3A_203 = arith.index_cast %parallel_loop3A_193 : i32 to index
          %parallel_loop3A_204 = arith.constant 0 : index
          %parallel_loop3A_205 = tpu.vector_load %arg6[%parallel_loop3A_202, %parallel_loop3A_203, %parallel_loop3A_204] {strides = array<i32>} : memref<3x160x128xf32, #tpu.memory_space<vmem>>, vector<16xf32>,
          %parallel_loop3A_206 = arith.mulf %parallel_loop3A_205, %parallel_loop3A_200 : vector<16xf32>
          %parallel_loop3A_207 = arith.constant 1 : i32
          %parallel_loop3A_208 = arith.index_cast %parallel_loop3A_207 : i32 to index
          %parallel_loop3A_209 = arith.index_cast %parallel_loop3A_193 : i32 to index
          %parallel_loop3A_210 = arith.constant 0 : index
          %parallel_loop3A_211 = tpu.vector_load %arg7[%parallel_loop3A_208, %parallel_loop3A_209, %parallel_loop3A_210] {strides = array<i32>} : memref<3x160x128xf32, #tpu.memory_space<vmem>>, vector<16xf32>,
          tpu.vector_store %arg7[%parallel_loop3A_208, %parallel_loop3A_209, %parallel_loop3A_210], %parallel_loop3A_206 {strides = array<i32>} : memref<3x160x128xf32, #tpu.memory_space<vmem>>, vector<16xf32>,
          %parallel_loop3A_212 = arith.addi %parallel_loop3A_198, %add3A_6 : vector<16xi32>
          %parallel_loop3A_213 = tpu.vector_load_idx %arg11[%parallel_loop3A_212] : memref<2048xf32, #tpu.memory_space<vmem>>[vector<16xi32>], vector<16xf32>,
          %parallel_loop3A_214 = arith.constant 1 : i32
          %parallel_loop3A_215 = arith.index_cast %parallel_loop3A_214 : i32 to index
          %parallel_loop3A_216 = arith.index_cast %parallel_loop3A_193 : i32 to index
          %parallel_loop3A_217 = arith.constant 16 : index
          %parallel_loop3A_218 = tpu.vector_load %arg6[%parallel_loop3A_215, %parallel_loop3A_216, %parallel_loop3A_217] {strides = array<i32>} : memref<3x160x128xf32, #tpu.memory_space<vmem>>, vector<16xf32>,
          %parallel_loop3A_219 = arith.mulf %parallel_loop3A_218, %parallel_loop3A_213 : vector<16xf32>
          %parallel_loop3A_220 = arith.constant 1 : i32
          %parallel_loop3A_221 = arith.index_cast %parallel_loop3A_220 : i32 to index
          %parallel_loop3A_222 = arith.index_cast %parallel_loop3A_193 : i32 to index
          %parallel_loop3A_223 = arith.constant 16 : index
          %parallel_loop3A_224 = tpu.vector_load %arg7[%parallel_loop3A_221, %parallel_loop3A_222, %parallel_loop3A_223] {strides = array<i32>} : memref<3x160x128xf32, #tpu.memory_space<vmem>>, vector<16xf32>,
          tpu.vector_store %arg7[%parallel_loop3A_221, %parallel_loop3A_222, %parallel_loop3A_223], %parallel_loop3A_219 {strides = array<i32>} : memref<3x160x128xf32, #tpu.memory_space<vmem>>, vector<16xf32>,
          %parallel_loop3A_225 = arith.addi %parallel_loop3A_198, %add3A_9 : vector<16xi32>
          %parallel_loop3A_226 = tpu.vector_load_idx %arg11[%parallel_loop3A_225] : memref<2048xf32, #tpu.memory_space<vmem>>[vector<16xi32>], vector<16xf32>,
          %parallel_loop3A_227 = arith.constant 1 : i32
          %parallel_loop3A_228 = arith.index_cast %parallel_loop3A_227 : i32 to index
          %parallel_loop3A_229 = arith.index_cast %parallel_loop3A_193 : i32 to index
          %parallel_loop3A_230 = arith.constant 32 : index
          %parallel_loop3A_231 = tpu.vector_load %arg6[%parallel_loop3A_228, %parallel_loop3A_229, %parallel_loop3A_230] {strides = array<i32>} : memref<3x160x128xf32, #tpu.memory_space<vmem>>, vector<16xf32>,
          %parallel_loop3A_232 = arith.mulf %parallel_loop3A_231, %parallel_loop3A_226 : vector<16xf32>
          %parallel_loop3A_233 = arith.constant 1 : i32
          %parallel_loop3A_234 = arith.index_cast %parallel_loop3A_233 : i32 to index
          %parallel_loop3A_235 = arith.index_cast %parallel_loop3A_193 : i32 to index
          %parallel_loop3A_236 = arith.constant 32 : index
          %parallel_loop3A_237 = tpu.vector_load %arg7[%parallel_loop3A_234, %parallel_loop3A_235, %parallel_loop3A_236] {strides = array<i32>} : memref<3x160x128xf32, #tpu.memory_space<vmem>>, vector<16xf32>,
          tpu.vector_store %arg7[%parallel_loop3A_234, %parallel_loop3A_235, %parallel_loop3A_236], %parallel_loop3A_232 {strides = array<i32>} : memref<3x160x128xf32, #tpu.memory_space<vmem>>, vector<16xf32>,
          %parallel_loop3A_238 = arith.addi %parallel_loop3A_198, %add3A_12 : vector<16xi32>
          %parallel_loop3A_239 = tpu.vector_load_idx %arg11[%parallel_loop3A_238] : memref<2048xf32, #tpu.memory_space<vmem>>[vector<16xi32>], vector<16xf32>,
          %parallel_loop3A_240 = arith.constant 1 : i32
          %parallel_loop3A_241 = arith.index_cast %parallel_loop3A_240 : i32 to index
          %parallel_loop3A_242 = arith.index_cast %parallel_loop3A_193 : i32 to index
          %parallel_loop3A_243 = arith.constant 48 : index
          %parallel_loop3A_244 = tpu.vector_load %arg6[%parallel_loop3A_241, %parallel_loop3A_242, %parallel_loop3A_243] {strides = array<i32>} : memref<3x160x128xf32, #tpu.memory_space<vmem>>, vector<16xf32>,
          %parallel_loop3A_245 = arith.mulf %parallel_loop3A_244, %parallel_loop3A_239 : vector<16xf32>
          %parallel_loop3A_246 = arith.constant 1 : i32
          %parallel_loop3A_247 = arith.index_cast %parallel_loop3A_246 : i32 to index
          %parallel_loop3A_248 = arith.index_cast %parallel_loop3A_193 : i32 to index
          %parallel_loop3A_249 = arith.constant 48 : index
          %parallel_loop3A_250 = tpu.vector_load %arg7[%parallel_loop3A_247, %parallel_loop3A_248, %parallel_loop3A_249] {strides = array<i32>} : memref<3x160x128xf32, #tpu.memory_space<vmem>>, vector<16xf32>,
          tpu.vector_store %arg7[%parallel_loop3A_247, %parallel_loop3A_248, %parallel_loop3A_249], %parallel_loop3A_245 {strides = array<i32>} : memref<3x160x128xf32, #tpu.memory_space<vmem>>, vector<16xf32>,
          %parallel_loop3A_251 = arith.addi %parallel_loop3A_198, %add3A_15 : vector<16xi32>
          %parallel_loop3A_252 = tpu.vector_load_idx %arg11[%parallel_loop3A_251] : memref<2048xf32, #tpu.memory_space<vmem>>[vector<16xi32>], vector<16xf32>,
          %parallel_loop3A_253 = arith.constant 1 : i32
          %parallel_loop3A_254 = arith.index_cast %parallel_loop3A_253 : i32 to index
          %parallel_loop3A_255 = arith.index_cast %parallel_loop3A_193 : i32 to index
          %parallel_loop3A_256 = arith.constant 64 : index
          %parallel_loop3A_257 = tpu.vector_load %arg6[%parallel_loop3A_254, %parallel_loop3A_255, %parallel_loop3A_256] {strides = array<i32>} : memref<3x160x128xf32, #tpu.memory_space<vmem>>, vector<16xf32>,
          %parallel_loop3A_258 = arith.mulf %parallel_loop3A_257, %parallel_loop3A_252 : vector<16xf32>
          %parallel_loop3A_259 = arith.constant 1 : i32
          %parallel_loop3A_260 = arith.index_cast %parallel_loop3A_259 : i32 to index
          %parallel_loop3A_261 = arith.index_cast %parallel_loop3A_193 : i32 to index
          %parallel_loop3A_262 = arith.constant 64 : index
          %parallel_loop3A_263 = tpu.vector_load %arg7[%parallel_loop3A_260, %parallel_loop3A_261, %parallel_loop3A_262] {strides = array<i32>} : memref<3x160x128xf32, #tpu.memory_space<vmem>>, vector<16xf32>,
          tpu.vector_store %arg7[%parallel_loop3A_260, %parallel_loop3A_261, %parallel_loop3A_262], %parallel_loop3A_258 {strides = array<i32>} : memref<3x160x128xf32, #tpu.memory_space<vmem>>, vector<16xf32>,
          %parallel_loop3A_264 = arith.addi %parallel_loop3A_198, %add3A_18 : vector<16xi32>
          %parallel_loop3A_265 = tpu.vector_load_idx %arg11[%parallel_loop3A_264] : memref<2048xf32, #tpu.memory_space<vmem>>[vector<16xi32>], vector<16xf32>,
          %parallel_loop3A_266 = arith.constant 1 : i32
          %parallel_loop3A_267 = arith.index_cast %parallel_loop3A_266 : i32 to index
          %parallel_loop3A_268 = arith.index_cast %parallel_loop3A_193 : i32 to index
          %parallel_loop3A_269 = arith.constant 80 : index
          %parallel_loop3A_270 = tpu.vector_load %arg6[%parallel_loop3A_267, %parallel_loop3A_268, %parallel_loop3A_269] {strides = array<i32>} : memref<3x160x128xf32, #tpu.memory_space<vmem>>, vector<16xf32>,
          %parallel_loop3A_271 = arith.mulf %parallel_loop3A_270, %parallel_loop3A_265 : vector<16xf32>
          %parallel_loop3A_272 = arith.constant 1 : i32
          %parallel_loop3A_273 = arith.index_cast %parallel_loop3A_272 : i32 to index
          %parallel_loop3A_274 = arith.index_cast %parallel_loop3A_193 : i32 to index
          %parallel_loop3A_275 = arith.constant 80 : index
          %parallel_loop3A_276 = tpu.vector_load %arg7[%parallel_loop3A_273, %parallel_loop3A_274, %parallel_loop3A_275] {strides = array<i32>} : memref<3x160x128xf32, #tpu.memory_space<vmem>>, vector<16xf32>,
          tpu.vector_store %arg7[%parallel_loop3A_273, %parallel_loop3A_274, %parallel_loop3A_275], %parallel_loop3A_271 {strides = array<i32>} : memref<3x160x128xf32, #tpu.memory_space<vmem>>, vector<16xf32>,
          %parallel_loop3A_277 = arith.addi %parallel_loop3A_198, %add3A_21 : vector<16xi32>
          %parallel_loop3A_278 = tpu.vector_load_idx %arg11[%parallel_loop3A_277] : memref<2048xf32, #tpu.memory_space<vmem>>[vector<16xi32>], vector<16xf32>,
          %parallel_loop3A_279 = arith.constant 1 : i32
          %parallel_loop3A_280 = arith.index_cast %parallel_loop3A_279 : i32 to index
          %parallel_loop3A_281 = arith.index_cast %parallel_loop3A_193 : i32 to index
          %parallel_loop3A_282 = arith.constant 96 : index
          %parallel_loop3A_283 = tpu.vector_load %arg6[%parallel_loop3A_280, %parallel_loop3A_281, %parallel_loop3A_282] {strides = array<i32>} : memref<3x160x128xf32, #tpu.memory_space<vmem>>, vector<16xf32>,
          %parallel_loop3A_284 = arith.mulf %parallel_loop3A_283, %parallel_loop3A_278 : vector<16xf32>
          %parallel_loop3A_285 = arith.constant 1 : i32
          %parallel_loop3A_286 = arith.index_cast %parallel_loop3A_285 : i32 to index
          %parallel_loop3A_287 = arith.index_cast %parallel_loop3A_193 : i32 to index
          %parallel_loop3A_288 = arith.constant 96 : index
          %parallel_loop3A_289 = tpu.vector_load %arg7[%parallel_loop3A_286, %parallel_loop3A_287, %parallel_loop3A_288] {strides = array<i32>} : memref<3x160x128xf32, #tpu.memory_space<vmem>>, vector<16xf32>,
          tpu.vector_store %arg7[%parallel_loop3A_286, %parallel_loop3A_287, %parallel_loop3A_288], %parallel_loop3A_284 {strides = array<i32>} : memref<3x160x128xf32, #tpu.memory_space<vmem>>, vector<16xf32>,
          %parallel_loop3A_290 = arith.addi %parallel_loop3A_198, %add3A_24 : vector<16xi32>
          %parallel_loop3A_291 = tpu.vector_load_idx %arg11[%parallel_loop3A_290] : memref<2048xf32, #tpu.memory_space<vmem>>[vector<16xi32>], vector<16xf32>,
          %parallel_loop3A_292 = arith.constant 1 : i32
          %parallel_loop3A_293 = arith.index_cast %parallel_loop3A_292 : i32 to index
          %parallel_loop3A_294 = arith.index_cast %parallel_loop3A_193 : i32 to index
          %parallel_loop3A_295 = arith.constant 112 : index
          %parallel_loop3A_296 = tpu.vector_load %arg6[%parallel_loop3A_293, %parallel_loop3A_294, %parallel_loop3A_295] {strides = array<i32>} : memref<3x160x128xf32, #tpu.memory_space<vmem>>, vector<16xf32>,
          %parallel_loop3A_297 = arith.mulf %parallel_loop3A_296, %parallel_loop3A_291 : vector<16xf32>
          %parallel_loop3A_298 = arith.constant 1 : i32
          %parallel_loop3A_299 = arith.index_cast %parallel_loop3A_298 : i32 to index
          %parallel_loop3A_300 = arith.index_cast %parallel_loop3A_193 : i32 to index
          %parallel_loop3A_301 = arith.constant 112 : index
          %parallel_loop3A_302 = tpu.vector_load %arg7[%parallel_loop3A_299, %parallel_loop3A_300, %parallel_loop3A_301] {strides = array<i32>} : memref<3x160x128xf32, #tpu.memory_space<vmem>>, vector<16xf32>,
          tpu.vector_store %arg7[%parallel_loop3A_299, %parallel_loop3A_300, %parallel_loop3A_301], %parallel_loop3A_297 {strides = array<i32>} : memref<3x160x128xf32, #tpu.memory_space<vmem>>, vector<16xf32>,
        } {sc.loop_unroll_factor = 1 : i64, sc.parallel_access}
        %mul3A_178 = arith.constant 160 : i32
        %mul3A_179 = arith.muli %add3A_117, %mul3A_178 : i32
        %dma_start3A_180 = arith.constant 1 : i32
        %dma_start3A_181 = arith.constant 0 : i32
        %dma_start3A_182 = arith.constant 0 : i32
        %dma_start3A_183 = tpu.memref_slice %arg7[%dma_start3A_180, %dma_start3A_181, %dma_start3A_182] : memref<3x160x128xf32, #tpu.memory_space<vmem>> -> memref<1x160x128xf32, #tpu.memory_space<vmem>>
        %dma_start3A_184 = tpu.memref_squeeze %dma_start3A_183 : memref<1x160x128xf32, #tpu.memory_space<vmem>> -> memref<160x128xf32, #tpu.memory_space<vmem>>
        %dma_start3A_185 = arith.constant 0 : i32
        %dma_start3A_186 = tpu.memref_slice %arg5[%mul3A_179, %dma_start3A_185] : memref<100000x128xf32, #tpu.memory_space<hbm>> -> memref<160x128xf32, #tpu.memory_space<hbm>>
        %dma_start3A_187 = arith.constant 0 : i32
        %dma_start3A_188 = tpu.memref_slice %arg5[%mul3A_179, %dma_start3A_187] : memref<100000x128xf32, #tpu.memory_space<hbm>> -> memref<160x128xf32, #tpu.memory_space<hbm>>
        %dma_start3A_189 = arith.constant 0 : i32
        %dma_start3A_190 = arith.constant 0 : i32
        %dma_start3A_191 = tpu.memref_slice %arg7[%dma_start3A_180, %dma_start3A_189, %dma_start3A_190] : memref<3x160x128xf32, #tpu.memory_space<vmem>> -> memref<1x160x128xf32, #tpu.memory_space<vmem>>
        %dma_start3A_192 = tpu.memref_squeeze %dma_start3A_191 : memref<1x160x128xf32, #tpu.memory_space<vmem>> -> memref<160x128xf32, #tpu.memory_space<vmem>>
        tpu.enqueue_dma source(%dma_start3A_192 : memref<160x128xf32, #tpu.memory_space<vmem>>) target(%dma_start3A_188 : memref<160x128xf32, #tpu.memory_space<hbm>>) target_semaphore(%arg16 : memref<!tpu.dma_semaphore, #tpu.memory_space<semaphore_mem>>)
      } else {
      }
      %mul3A_135 = arith.constant 3 : i32
      %mul3A_136 = arith.muli %mul3A_135, %scan3A_86 : i32
      %add3A_137 = arith.constant 2 : i32
      %add3A_138 = arith.addi %mul3A_136, %add3A_137 : i32
      %mul3A_139 = arith.constant 32 : i32
      %mul3A_140 = arith.muli %mul3A_139, %add3A_138 : i32
      %add3A_141 = arith.addi %add3A, %mul3A_140 : i32
      %add3A_142 = arith.constant 64 : i32
      %add3A_143 = arith.addi %add3A_141, %add3A_142 : i32
      %lt3A_144 = arith.constant 625 : i32
      %lt3A_145 = arith.cmpi slt, %add3A_143, %lt3A_144 : i32
      %convert_element_type3A_146 = arith.extui %lt3A_145 : i1 to i32
      %cond3A_147 = arith.constant 0 : i32
      %cond3A_148 = arith.cmpi ne, %convert_element_type3A_146, %cond3A_147 : i32
      scf.if %cond3A_148 {
        %add3A_160 = arith.constant 64 : i32
        %add3A_161 = arith.addi %add3A_141, %add3A_160 : i32
        %mul3A_162 = arith.constant 160 : i32
        %mul3A_163 = arith.muli %add3A_161, %mul3A_162 : i32
        %dma_start3A_164 = tpu.memref_slice %arg3[%mul3A_163] : memref<100000xi32, #tpu.memory_space<hbm>> -> memref<160xi32, #tpu.memory_space<hbm>>
        %dma_start3A_165 = tpu.memref_slice %arg3[%mul3A_163] : memref<100000xi32, #tpu.memory_space<hbm>> -> memref<160xi32, #tpu.memory_space<hbm>>
        tpu.enqueue_dma source(%dma_start3A_165 : memref<160xi32, #tpu.memory_space<hbm>>) target(%arg9 : memref<160xi32, #tpu.memory_space<vmem>>) target_semaphore(%arg13 : memref<!tpu.dma_semaphore, #tpu.memory_space<semaphore_mem>>)
        %dma_start3A_166 = arith.constant 1 : i32
        %dma_start3A_167 = arith.constant 0 : i32
        %dma_start3A_168 = arith.constant 0 : i32
        %dma_start3A_169 = tpu.memref_slice %arg6[%dma_start3A_166, %dma_start3A_167, %dma_start3A_168] : memref<3x160x128xf32, #tpu.memory_space<vmem>> -> memref<1x160x128xf32, #tpu.memory_space<vmem>>
        %dma_start3A_170 = tpu.memref_squeeze %dma_start3A_169 : memref<1x160x128xf32, #tpu.memory_space<vmem>> -> memref<160x128xf32, #tpu.memory_space<vmem>>
        %dma_start3A_171 = arith.constant 0 : i32
        %dma_start3A_172 = tpu.memref_slice %arg2[%mul3A_163, %dma_start3A_171] : memref<100000x128xf32, #tpu.memory_space<hbm>> -> memref<160x128xf32, #tpu.memory_space<hbm>>
        %dma_start3A_173 = arith.constant 0 : i32
        %dma_start3A_174 = arith.constant 0 : i32
        %dma_start3A_175 = tpu.memref_slice %arg6[%dma_start3A_166, %dma_start3A_173, %dma_start3A_174] : memref<3x160x128xf32, #tpu.memory_space<vmem>> -> memref<1x160x128xf32, #tpu.memory_space<vmem>>
        %dma_start3A_176 = tpu.memref_squeeze %dma_start3A_175 : memref<1x160x128xf32, #tpu.memory_space<vmem>> -> memref<160x128xf32, #tpu.memory_space<vmem>>
        %dma_start3A_177 = arith.constant 0 : i32
        %dma_start3A_178 = tpu.memref_slice %arg2[%mul3A_163, %dma_start3A_177] : memref<100000x128xf32, #tpu.memory_space<hbm>> -> memref<160x128xf32, #tpu.memory_space<hbm>>
        tpu.enqueue_dma source(%dma_start3A_178 : memref<160x128xf32, #tpu.memory_space<hbm>>) target(%dma_start3A_176 : memref<160x128xf32, #tpu.memory_space<vmem>>) target_semaphore(%arg13 : memref<!tpu.dma_semaphore, #tpu.memory_space<semaphore_mem>>)
      } else {
      }
      %ge3A_149 = arith.constant 3 : i32
      %ge3A_150 = arith.cmpi sge, %add3A_138, %ge3A_149 : i32
      %convert_element_type3A_151 = arith.extui %ge3A_150 : i1 to i32
      %cond3A_152 = arith.constant 0 : i32
      %cond3A_153 = arith.cmpi ne, %convert_element_type3A_151, %cond3A_152 : i32
      scf.if %cond3A_153 {
        %sub3A = arith.constant 96 : i32
        %sub3A_160 = arith.subi %add3A_141, %sub3A : i32
        %mul3A_161 = arith.constant 160 : i32
        %mul3A_162 = arith.muli %sub3A_160, %mul3A_161 : i32
        %dma_wait3A = arith.constant 2 : i32
        %dma_wait3A_163 = arith.constant 0 : i32
        %dma_wait3A_164 = arith.constant 0 : i32
        %dma_wait3A_165 = tpu.memref_slice %arg7[%dma_wait3A, %dma_wait3A_163, %dma_wait3A_164] : memref<3x160x128xf32, #tpu.memory_space<vmem>> -> memref<1x160x128xf32, #tpu.memory_space<vmem>>
        %dma_wait3A_166 = tpu.memref_squeeze %dma_wait3A_165 : memref<1x160x128xf32, #tpu.memory_space<vmem>> -> memref<160x128xf32, #tpu.memory_space<vmem>>
        %dma_wait3A_167 = arith.constant 0 : i32
        %dma_wait3A_168 = tpu.memref_slice %arg5[%mul3A_162, %dma_wait3A_167] : memref<100000x128xf32, #tpu.memory_space<hbm>> -> memref<160x128xf32, #tpu.memory_space<hbm>>
        %dma_wait3A_169 = arith.constant 0 : i32
        %dma_wait3A_170 = tpu.memref_slice %arg5[%mul3A_162, %dma_wait3A_169] : memref<100000x128xf32, #tpu.memory_space<hbm>> -> memref<160x128xf32, #tpu.memory_space<hbm>>
        %dma_wait3A_171 = arith.constant 0 : i32
        %dma_wait3A_172 = arith.constant 0 : i32
        %dma_wait3A_173 = tpu.memref_slice %arg7[%dma_wait3A, %dma_wait3A_171, %dma_wait3A_172] : memref<3x160x128xf32, #tpu.memory_space<vmem>> -> memref<1x160x128xf32, #tpu.memory_space<vmem>>
        %dma_wait3A_174 = tpu.memref_squeeze %dma_wait3A_173 : memref<1x160x128xf32, #tpu.memory_space<vmem>> -> memref<160x128xf32, #tpu.memory_space<vmem>>
        tpu.wait_dma2 semaphore(%arg17 : memref<!tpu.dma_semaphore, #tpu.memory_space<semaphore_mem>>) src(%dma_wait3A_174 : memref<160x128xf32, #tpu.memory_space<vmem>>) dst(%dma_wait3A_170 : memref<160x128xf32, #tpu.memory_space<hbm>>)
      } else {
      }
      %lt3A_154 = arith.constant 625 : i32
      %lt3A_155 = arith.cmpi slt, %add3A_141, %lt3A_154 : i32
      %convert_element_type3A_156 = arith.extui %lt3A_155 : i1 to i32
      %cond3A_157 = arith.constant 0 : i32
      %cond3A_158 = arith.cmpi ne, %convert_element_type3A_156, %cond3A_157 : i32
      scf.if %cond3A_158 {
        %mul3A_160 = arith.constant 160 : i32
        %mul3A_161 = arith.muli %add3A_141, %mul3A_160 : i32
        %dma_wait3A = tpu.memref_slice %arg3[%mul3A_161] : memref<100000xi32, #tpu.memory_space<hbm>> -> memref<160xi32, #tpu.memory_space<hbm>>
        %dma_wait3A_162 = tpu.memref_slice %arg3[%mul3A_161] : memref<100000xi32, #tpu.memory_space<hbm>> -> memref<160xi32, #tpu.memory_space<hbm>>
        tpu.wait_dma2 semaphore(%arg14 : memref<!tpu.dma_semaphore, #tpu.memory_space<semaphore_mem>>) src(%dma_wait3A_162 : memref<160xi32, #tpu.memory_space<hbm>>) dst(%arg10 : memref<160xi32, #tpu.memory_space<vmem>>)
        %dma_wait3A_163 = arith.constant 2 : i32
        %dma_wait3A_164 = arith.constant 0 : i32
        %dma_wait3A_165 = arith.constant 0 : i32
        %dma_wait3A_166 = tpu.memref_slice %arg6[%dma_wait3A_163, %dma_wait3A_164, %dma_wait3A_165] : memref<3x160x128xf32, #tpu.memory_space<vmem>> -> memref<1x160x128xf32, #tpu.memory_space<vmem>>
        %dma_wait3A_167 = tpu.memref_squeeze %dma_wait3A_166 : memref<1x160x128xf32, #tpu.memory_space<vmem>> -> memref<160x128xf32, #tpu.memory_space<vmem>>
        %dma_wait3A_168 = arith.constant 0 : i32
        %dma_wait3A_169 = tpu.memref_slice %arg2[%mul3A_161, %dma_wait3A_168] : memref<100000x128xf32, #tpu.memory_space<hbm>> -> memref<160x128xf32, #tpu.memory_space<hbm>>
        %dma_wait3A_170 = arith.constant 0 : i32
        %dma_wait3A_171 = arith.constant 0 : i32
        %dma_wait3A_172 = tpu.memref_slice %arg6[%dma_wait3A_163, %dma_wait3A_170, %dma_wait3A_171] : memref<3x160x128xf32, #tpu.memory_space<vmem>> -> memref<1x160x128xf32, #tpu.memory_space<vmem>>
        %dma_wait3A_173 = tpu.memref_squeeze %dma_wait3A_172 : memref<1x160x128xf32, #tpu.memory_space<vmem>> -> memref<160x128xf32, #tpu.memory_space<vmem>>
        %dma_wait3A_174 = arith.constant 0 : i32
        %dma_wait3A_175 = tpu.memref_slice %arg2[%mul3A_161, %dma_wait3A_174] : memref<100000x128xf32, #tpu.memory_space<hbm>> -> memref<160x128xf32, #tpu.memory_space<hbm>>
        tpu.wait_dma2 semaphore(%arg14 : memref<!tpu.dma_semaphore, #tpu.memory_space<semaphore_mem>>) src(%dma_wait3A_175 : memref<160x128xf32, #tpu.memory_space<hbm>>) dst(%dma_wait3A_173 : memref<160x128xf32, #tpu.memory_space<vmem>>)
        %parallel_loop3A = arith.constant 0 : i32
        %parallel_loop3A_176 = arith.constant 160 : i32
        %parallel_loop3A_177 = arith.constant 1 : i32
        scf.for %parallel_loop3A_193 = %parallel_loop3A to %parallel_loop3A_176 step %parallel_loop3A_177  : i32 {
          %parallel_loop3A_194 = vector.broadcast %parallel_loop3A_193 : i32 to vector<16xi32>
          %parallel_loop3A_195 = tpu.vector_load_idx %arg10[%parallel_loop3A_194] : memref<160xi32, #tpu.memory_space<vmem>>[vector<16xi32>], vector<16xi32>,
          %parallel_loop3A_196 = arith.constant 128 : i32
          %parallel_loop3A_197 = vector.broadcast %parallel_loop3A_196 : i32 to vector<16xi32>
          %parallel_loop3A_198 = arith.muli %parallel_loop3A_195, %parallel_loop3A_197 : vector<16xi32>
          %parallel_loop3A_199 = arith.addi %parallel_loop3A_198, %add3A_3 : vector<16xi32>
          %parallel_loop3A_200 = tpu.vector_load_idx %arg11[%parallel_loop3A_199] : memref<2048xf32, #tpu.memory_space<vmem>>[vector<16xi32>], vector<16xf32>,
          %parallel_loop3A_201 = arith.constant 2 : i32
          %parallel_loop3A_202 = arith.index_cast %parallel_loop3A_201 : i32 to index
          %parallel_loop3A_203 = arith.index_cast %parallel_loop3A_193 : i32 to index
          %parallel_loop3A_204 = arith.constant 0 : index
          %parallel_loop3A_205 = tpu.vector_load %arg6[%parallel_loop3A_202, %parallel_loop3A_203, %parallel_loop3A_204] {strides = array<i32>} : memref<3x160x128xf32, #tpu.memory_space<vmem>>, vector<16xf32>,
          %parallel_loop3A_206 = arith.mulf %parallel_loop3A_205, %parallel_loop3A_200 : vector<16xf32>
          %parallel_loop3A_207 = arith.constant 2 : i32
          %parallel_loop3A_208 = arith.index_cast %parallel_loop3A_207 : i32 to index
          %parallel_loop3A_209 = arith.index_cast %parallel_loop3A_193 : i32 to index
          %parallel_loop3A_210 = arith.constant 0 : index
          %parallel_loop3A_211 = tpu.vector_load %arg7[%parallel_loop3A_208, %parallel_loop3A_209, %parallel_loop3A_210] {strides = array<i32>} : memref<3x160x128xf32, #tpu.memory_space<vmem>>, vector<16xf32>,
          tpu.vector_store %arg7[%parallel_loop3A_208, %parallel_loop3A_209, %parallel_loop3A_210], %parallel_loop3A_206 {strides = array<i32>} : memref<3x160x128xf32, #tpu.memory_space<vmem>>, vector<16xf32>,
          %parallel_loop3A_212 = arith.addi %parallel_loop3A_198, %add3A_6 : vector<16xi32>
          %parallel_loop3A_213 = tpu.vector_load_idx %arg11[%parallel_loop3A_212] : memref<2048xf32, #tpu.memory_space<vmem>>[vector<16xi32>], vector<16xf32>,
          %parallel_loop3A_214 = arith.constant 2 : i32
          %parallel_loop3A_215 = arith.index_cast %parallel_loop3A_214 : i32 to index
          %parallel_loop3A_216 = arith.index_cast %parallel_loop3A_193 : i32 to index
          %parallel_loop3A_217 = arith.constant 16 : index
          %parallel_loop3A_218 = tpu.vector_load %arg6[%parallel_loop3A_215, %parallel_loop3A_216, %parallel_loop3A_217] {strides = array<i32>} : memref<3x160x128xf32, #tpu.memory_space<vmem>>, vector<16xf32>,
          %parallel_loop3A_219 = arith.mulf %parallel_loop3A_218, %parallel_loop3A_213 : vector<16xf32>
          %parallel_loop3A_220 = arith.constant 2 : i32
          %parallel_loop3A_221 = arith.index_cast %parallel_loop3A_220 : i32 to index
          %parallel_loop3A_222 = arith.index_cast %parallel_loop3A_193 : i32 to index
          %parallel_loop3A_223 = arith.constant 16 : index
          %parallel_loop3A_224 = tpu.vector_load %arg7[%parallel_loop3A_221, %parallel_loop3A_222, %parallel_loop3A_223] {strides = array<i32>} : memref<3x160x128xf32, #tpu.memory_space<vmem>>, vector<16xf32>,
          tpu.vector_store %arg7[%parallel_loop3A_221, %parallel_loop3A_222, %parallel_loop3A_223], %parallel_loop3A_219 {strides = array<i32>} : memref<3x160x128xf32, #tpu.memory_space<vmem>>, vector<16xf32>,
          %parallel_loop3A_225 = arith.addi %parallel_loop3A_198, %add3A_9 : vector<16xi32>
          %parallel_loop3A_226 = tpu.vector_load_idx %arg11[%parallel_loop3A_225] : memref<2048xf32, #tpu.memory_space<vmem>>[vector<16xi32>], vector<16xf32>,
          %parallel_loop3A_227 = arith.constant 2 : i32
          %parallel_loop3A_228 = arith.index_cast %parallel_loop3A_227 : i32 to index
          %parallel_loop3A_229 = arith.index_cast %parallel_loop3A_193 : i32 to index
          %parallel_loop3A_230 = arith.constant 32 : index
          %parallel_loop3A_231 = tpu.vector_load %arg6[%parallel_loop3A_228, %parallel_loop3A_229, %parallel_loop3A_230] {strides = array<i32>} : memref<3x160x128xf32, #tpu.memory_space<vmem>>, vector<16xf32>,
          %parallel_loop3A_232 = arith.mulf %parallel_loop3A_231, %parallel_loop3A_226 : vector<16xf32>
          %parallel_loop3A_233 = arith.constant 2 : i32
          %parallel_loop3A_234 = arith.index_cast %parallel_loop3A_233 : i32 to index
          %parallel_loop3A_235 = arith.index_cast %parallel_loop3A_193 : i32 to index
          %parallel_loop3A_236 = arith.constant 32 : index
          %parallel_loop3A_237 = tpu.vector_load %arg7[%parallel_loop3A_234, %parallel_loop3A_235, %parallel_loop3A_236] {strides = array<i32>} : memref<3x160x128xf32, #tpu.memory_space<vmem>>, vector<16xf32>,
          tpu.vector_store %arg7[%parallel_loop3A_234, %parallel_loop3A_235, %parallel_loop3A_236], %parallel_loop3A_232 {strides = array<i32>} : memref<3x160x128xf32, #tpu.memory_space<vmem>>, vector<16xf32>,
          %parallel_loop3A_238 = arith.addi %parallel_loop3A_198, %add3A_12 : vector<16xi32>
          %parallel_loop3A_239 = tpu.vector_load_idx %arg11[%parallel_loop3A_238] : memref<2048xf32, #tpu.memory_space<vmem>>[vector<16xi32>], vector<16xf32>,
          %parallel_loop3A_240 = arith.constant 2 : i32
          %parallel_loop3A_241 = arith.index_cast %parallel_loop3A_240 : i32 to index
          %parallel_loop3A_242 = arith.index_cast %parallel_loop3A_193 : i32 to index
          %parallel_loop3A_243 = arith.constant 48 : index
          %parallel_loop3A_244 = tpu.vector_load %arg6[%parallel_loop3A_241, %parallel_loop3A_242, %parallel_loop3A_243] {strides = array<i32>} : memref<3x160x128xf32, #tpu.memory_space<vmem>>, vector<16xf32>,
          %parallel_loop3A_245 = arith.mulf %parallel_loop3A_244, %parallel_loop3A_239 : vector<16xf32>
          %parallel_loop3A_246 = arith.constant 2 : i32
          %parallel_loop3A_247 = arith.index_cast %parallel_loop3A_246 : i32 to index
          %parallel_loop3A_248 = arith.index_cast %parallel_loop3A_193 : i32 to index
          %parallel_loop3A_249 = arith.constant 48 : index
          %parallel_loop3A_250 = tpu.vector_load %arg7[%parallel_loop3A_247, %parallel_loop3A_248, %parallel_loop3A_249] {strides = array<i32>} : memref<3x160x128xf32, #tpu.memory_space<vmem>>, vector<16xf32>,
          tpu.vector_store %arg7[%parallel_loop3A_247, %parallel_loop3A_248, %parallel_loop3A_249], %parallel_loop3A_245 {strides = array<i32>} : memref<3x160x128xf32, #tpu.memory_space<vmem>>, vector<16xf32>,
          %parallel_loop3A_251 = arith.addi %parallel_loop3A_198, %add3A_15 : vector<16xi32>
          %parallel_loop3A_252 = tpu.vector_load_idx %arg11[%parallel_loop3A_251] : memref<2048xf32, #tpu.memory_space<vmem>>[vector<16xi32>], vector<16xf32>,
          %parallel_loop3A_253 = arith.constant 2 : i32
          %parallel_loop3A_254 = arith.index_cast %parallel_loop3A_253 : i32 to index
          %parallel_loop3A_255 = arith.index_cast %parallel_loop3A_193 : i32 to index
          %parallel_loop3A_256 = arith.constant 64 : index
          %parallel_loop3A_257 = tpu.vector_load %arg6[%parallel_loop3A_254, %parallel_loop3A_255, %parallel_loop3A_256] {strides = array<i32>} : memref<3x160x128xf32, #tpu.memory_space<vmem>>, vector<16xf32>,
          %parallel_loop3A_258 = arith.mulf %parallel_loop3A_257, %parallel_loop3A_252 : vector<16xf32>
          %parallel_loop3A_259 = arith.constant 2 : i32
          %parallel_loop3A_260 = arith.index_cast %parallel_loop3A_259 : i32 to index
          %parallel_loop3A_261 = arith.index_cast %parallel_loop3A_193 : i32 to index
          %parallel_loop3A_262 = arith.constant 64 : index
          %parallel_loop3A_263 = tpu.vector_load %arg7[%parallel_loop3A_260, %parallel_loop3A_261, %parallel_loop3A_262] {strides = array<i32>} : memref<3x160x128xf32, #tpu.memory_space<vmem>>, vector<16xf32>,
          tpu.vector_store %arg7[%parallel_loop3A_260, %parallel_loop3A_261, %parallel_loop3A_262], %parallel_loop3A_258 {strides = array<i32>} : memref<3x160x128xf32, #tpu.memory_space<vmem>>, vector<16xf32>,
          %parallel_loop3A_264 = arith.addi %parallel_loop3A_198, %add3A_18 : vector<16xi32>
          %parallel_loop3A_265 = tpu.vector_load_idx %arg11[%parallel_loop3A_264] : memref<2048xf32, #tpu.memory_space<vmem>>[vector<16xi32>], vector<16xf32>,
          %parallel_loop3A_266 = arith.constant 2 : i32
          %parallel_loop3A_267 = arith.index_cast %parallel_loop3A_266 : i32 to index
          %parallel_loop3A_268 = arith.index_cast %parallel_loop3A_193 : i32 to index
          %parallel_loop3A_269 = arith.constant 80 : index
          %parallel_loop3A_270 = tpu.vector_load %arg6[%parallel_loop3A_267, %parallel_loop3A_268, %parallel_loop3A_269] {strides = array<i32>} : memref<3x160x128xf32, #tpu.memory_space<vmem>>, vector<16xf32>,
          %parallel_loop3A_271 = arith.mulf %parallel_loop3A_270, %parallel_loop3A_265 : vector<16xf32>
          %parallel_loop3A_272 = arith.constant 2 : i32
          %parallel_loop3A_273 = arith.index_cast %parallel_loop3A_272 : i32 to index
          %parallel_loop3A_274 = arith.index_cast %parallel_loop3A_193 : i32 to index
          %parallel_loop3A_275 = arith.constant 80 : index
          %parallel_loop3A_276 = tpu.vector_load %arg7[%parallel_loop3A_273, %parallel_loop3A_274, %parallel_loop3A_275] {strides = array<i32>} : memref<3x160x128xf32, #tpu.memory_space<vmem>>, vector<16xf32>,
          tpu.vector_store %arg7[%parallel_loop3A_273, %parallel_loop3A_274, %parallel_loop3A_275], %parallel_loop3A_271 {strides = array<i32>} : memref<3x160x128xf32, #tpu.memory_space<vmem>>, vector<16xf32>,
          %parallel_loop3A_277 = arith.addi %parallel_loop3A_198, %add3A_21 : vector<16xi32>
          %parallel_loop3A_278 = tpu.vector_load_idx %arg11[%parallel_loop3A_277] : memref<2048xf32, #tpu.memory_space<vmem>>[vector<16xi32>], vector<16xf32>,
          %parallel_loop3A_279 = arith.constant 2 : i32
          %parallel_loop3A_280 = arith.index_cast %parallel_loop3A_279 : i32 to index
          %parallel_loop3A_281 = arith.index_cast %parallel_loop3A_193 : i32 to index
          %parallel_loop3A_282 = arith.constant 96 : index
          %parallel_loop3A_283 = tpu.vector_load %arg6[%parallel_loop3A_280, %parallel_loop3A_281, %parallel_loop3A_282] {strides = array<i32>} : memref<3x160x128xf32, #tpu.memory_space<vmem>>, vector<16xf32>,
          %parallel_loop3A_284 = arith.mulf %parallel_loop3A_283, %parallel_loop3A_278 : vector<16xf32>
          %parallel_loop3A_285 = arith.constant 2 : i32
          %parallel_loop3A_286 = arith.index_cast %parallel_loop3A_285 : i32 to index
          %parallel_loop3A_287 = arith.index_cast %parallel_loop3A_193 : i32 to index
          %parallel_loop3A_288 = arith.constant 96 : index
          %parallel_loop3A_289 = tpu.vector_load %arg7[%parallel_loop3A_286, %parallel_loop3A_287, %parallel_loop3A_288] {strides = array<i32>} : memref<3x160x128xf32, #tpu.memory_space<vmem>>, vector<16xf32>,
          tpu.vector_store %arg7[%parallel_loop3A_286, %parallel_loop3A_287, %parallel_loop3A_288], %parallel_loop3A_284 {strides = array<i32>} : memref<3x160x128xf32, #tpu.memory_space<vmem>>, vector<16xf32>,
          %parallel_loop3A_290 = arith.addi %parallel_loop3A_198, %add3A_24 : vector<16xi32>
          %parallel_loop3A_291 = tpu.vector_load_idx %arg11[%parallel_loop3A_290] : memref<2048xf32, #tpu.memory_space<vmem>>[vector<16xi32>], vector<16xf32>,
          %parallel_loop3A_292 = arith.constant 2 : i32
          %parallel_loop3A_293 = arith.index_cast %parallel_loop3A_292 : i32 to index
          %parallel_loop3A_294 = arith.index_cast %parallel_loop3A_193 : i32 to index
          %parallel_loop3A_295 = arith.constant 112 : index
          %parallel_loop3A_296 = tpu.vector_load %arg6[%parallel_loop3A_293, %parallel_loop3A_294, %parallel_loop3A_295] {strides = array<i32>} : memref<3x160x128xf32, #tpu.memory_space<vmem>>, vector<16xf32>,
          %parallel_loop3A_297 = arith.mulf %parallel_loop3A_296, %parallel_loop3A_291 : vector<16xf32>
          %parallel_loop3A_298 = arith.constant 2 : i32
          %parallel_loop3A_299 = arith.index_cast %parallel_loop3A_298 : i32 to index
          %parallel_loop3A_300 = arith.index_cast %parallel_loop3A_193 : i32 to index
          %parallel_loop3A_301 = arith.constant 112 : index
          %parallel_loop3A_302 = tpu.vector_load %arg7[%parallel_loop3A_299, %parallel_loop3A_300, %parallel_loop3A_301] {strides = array<i32>} : memref<3x160x128xf32, #tpu.memory_space<vmem>>, vector<16xf32>,
          tpu.vector_store %arg7[%parallel_loop3A_299, %parallel_loop3A_300, %parallel_loop3A_301], %parallel_loop3A_297 {strides = array<i32>} : memref<3x160x128xf32, #tpu.memory_space<vmem>>, vector<16xf32>,
        } {sc.loop_unroll_factor = 1 : i64, sc.parallel_access}
        %mul3A_178 = arith.constant 160 : i32
        %mul3A_179 = arith.muli %add3A_141, %mul3A_178 : i32
        %dma_start3A_180 = arith.constant 2 : i32
        %dma_start3A_181 = arith.constant 0 : i32
        %dma_start3A_182 = arith.constant 0 : i32
        %dma_start3A_183 = tpu.memref_slice %arg7[%dma_start3A_180, %dma_start3A_181, %dma_start3A_182] : memref<3x160x128xf32, #tpu.memory_space<vmem>> -> memref<1x160x128xf32, #tpu.memory_space<vmem>>
        %dma_start3A_184 = tpu.memref_squeeze %dma_start3A_183 : memref<1x160x128xf32, #tpu.memory_space<vmem>> -> memref<160x128xf32, #tpu.memory_space<vmem>>
        %dma_start3A_185 = arith.constant 0 : i32
        %dma_start3A_186 = tpu.memref_slice %arg5[%mul3A_179, %dma_start3A_185] : memref<100000x128xf32, #tpu.memory_space<hbm>> -> memref<160x128xf32, #tpu.memory_space<hbm>>
        %dma_start3A_187 = arith.constant 0 : i32
        %dma_start3A_188 = tpu.memref_slice %arg5[%mul3A_179, %dma_start3A_187] : memref<100000x128xf32, #tpu.memory_space<hbm>> -> memref<160x128xf32, #tpu.memory_space<hbm>>
        %dma_start3A_189 = arith.constant 0 : i32
        %dma_start3A_190 = arith.constant 0 : i32
        %dma_start3A_191 = tpu.memref_slice %arg7[%dma_start3A_180, %dma_start3A_189, %dma_start3A_190] : memref<3x160x128xf32, #tpu.memory_space<vmem>> -> memref<1x160x128xf32, #tpu.memory_space<vmem>>
        %dma_start3A_192 = tpu.memref_squeeze %dma_start3A_191 : memref<1x160x128xf32, #tpu.memory_space<vmem>> -> memref<160x128xf32, #tpu.memory_space<vmem>>
        tpu.enqueue_dma source(%dma_start3A_192 : memref<160x128xf32, #tpu.memory_space<vmem>>) target(%dma_start3A_188 : memref<160x128xf32, #tpu.memory_space<hbm>>) target_semaphore(%arg17 : memref<!tpu.dma_semaphore, #tpu.memory_space<semaphore_mem>>)
      } else {
      }
      %scan3A_159 = arith.constant 0 : i32
      scf.yield %scan3A_159 : i32
    }
    %scan3A_67 = arith.constant 7 : i32
    %add3A_68 = arith.constant 576 : i32
    %add3A_69 = arith.addi %add3A, %add3A_68 : i32
    %lt3A = arith.constant 625 : i32
    %lt3A_70 = arith.cmpi slt, %add3A_69, %lt3A : i32
    %convert_element_type3A = arith.extui %lt3A_70 : i1 to i32
    %cond3A = arith.constant 0 : i32
    %cond3A_71 = arith.cmpi ne, %convert_element_type3A, %cond3A : i32
    scf.if %cond3A_71 {
      %mul3A_86 = arith.constant 160 : i32
      %mul3A_87 = arith.muli %add3A_69, %mul3A_86 : i32
      %dma_wait3A = arith.constant 0 : i32
      %dma_wait3A_88 = arith.constant 0 : i32
      %dma_wait3A_89 = arith.constant 0 : i32
      %dma_wait3A_90 = tpu.memref_slice %arg7[%dma_wait3A, %dma_wait3A_88, %dma_wait3A_89] : memref<3x160x128xf32, #tpu.memory_space<vmem>> -> memref<1x160x128xf32, #tpu.memory_space<vmem>>
      %dma_wait3A_91 = tpu.memref_squeeze %dma_wait3A_90 : memref<1x160x128xf32, #tpu.memory_space<vmem>> -> memref<160x128xf32, #tpu.memory_space<vmem>>
      %dma_wait3A_92 = arith.constant 0 : i32
      %dma_wait3A_93 = tpu.memref_slice %arg5[%mul3A_87, %dma_wait3A_92] : memref<100000x128xf32, #tpu.memory_space<hbm>> -> memref<160x128xf32, #tpu.memory_space<hbm>>
      %dma_wait3A_94 = arith.constant 0 : i32
      %dma_wait3A_95 = tpu.memref_slice %arg5[%mul3A_87, %dma_wait3A_94] : memref<100000x128xf32, #tpu.memory_space<hbm>> -> memref<160x128xf32, #tpu.memory_space<hbm>>
      %dma_wait3A_96 = arith.constant 0 : i32
      %dma_wait3A_97 = arith.constant 0 : i32
      %dma_wait3A_98 = tpu.memref_slice %arg7[%dma_wait3A, %dma_wait3A_96, %dma_wait3A_97] : memref<3x160x128xf32, #tpu.memory_space<vmem>> -> memref<1x160x128xf32, #tpu.memory_space<vmem>>
      %dma_wait3A_99 = tpu.memref_squeeze %dma_wait3A_98 : memref<1x160x128xf32, #tpu.memory_space<vmem>> -> memref<160x128xf32, #tpu.memory_space<vmem>>
      tpu.wait_dma2 semaphore(%arg15 : memref<!tpu.dma_semaphore, #tpu.memory_space<semaphore_mem>>) src(%dma_wait3A_99 : memref<160x128xf32, #tpu.memory_space<vmem>>) dst(%dma_wait3A_95 : memref<160x128xf32, #tpu.memory_space<hbm>>)
    } else {
    }
    %add3A_72 = arith.constant 608 : i32
    %add3A_73 = arith.addi %add3A, %add3A_72 : i32
    %lt3A_74 = arith.constant 625 : i32
    %lt3A_75 = arith.cmpi slt, %add3A_73, %lt3A_74 : i32
    %convert_element_type3A_76 = arith.extui %lt3A_75 : i1 to i32
    %cond3A_77 = arith.constant 0 : i32
    %cond3A_78 = arith.cmpi ne, %convert_element_type3A_76, %cond3A_77 : i32
    scf.if %cond3A_78 {
      %mul3A_86 = arith.constant 160 : i32
      %mul3A_87 = arith.muli %add3A_73, %mul3A_86 : i32
      %dma_wait3A = arith.constant 1 : i32
      %dma_wait3A_88 = arith.constant 0 : i32
      %dma_wait3A_89 = arith.constant 0 : i32
      %dma_wait3A_90 = tpu.memref_slice %arg7[%dma_wait3A, %dma_wait3A_88, %dma_wait3A_89] : memref<3x160x128xf32, #tpu.memory_space<vmem>> -> memref<1x160x128xf32, #tpu.memory_space<vmem>>
      %dma_wait3A_91 = tpu.memref_squeeze %dma_wait3A_90 : memref<1x160x128xf32, #tpu.memory_space<vmem>> -> memref<160x128xf32, #tpu.memory_space<vmem>>
      %dma_wait3A_92 = arith.constant 0 : i32
      %dma_wait3A_93 = tpu.memref_slice %arg5[%mul3A_87, %dma_wait3A_92] : memref<100000x128xf32, #tpu.memory_space<hbm>> -> memref<160x128xf32, #tpu.memory_space<hbm>>
      %dma_wait3A_94 = arith.constant 0 : i32
      %dma_wait3A_95 = tpu.memref_slice %arg5[%mul3A_87, %dma_wait3A_94] : memref<100000x128xf32, #tpu.memory_space<hbm>> -> memref<160x128xf32, #tpu.memory_space<hbm>>
      %dma_wait3A_96 = arith.constant 0 : i32
      %dma_wait3A_97 = arith.constant 0 : i32
      %dma_wait3A_98 = tpu.memref_slice %arg7[%dma_wait3A, %dma_wait3A_96, %dma_wait3A_97] : memref<3x160x128xf32, #tpu.memory_space<vmem>> -> memref<1x160x128xf32, #tpu.memory_space<vmem>>
      %dma_wait3A_99 = tpu.memref_squeeze %dma_wait3A_98 : memref<1x160x128xf32, #tpu.memory_space<vmem>> -> memref<160x128xf32, #tpu.memory_space<vmem>>
      tpu.wait_dma2 semaphore(%arg16 : memref<!tpu.dma_semaphore, #tpu.memory_space<semaphore_mem>>) src(%dma_wait3A_99 : memref<160x128xf32, #tpu.memory_space<vmem>>) dst(%dma_wait3A_95 : memref<160x128xf32, #tpu.memory_space<hbm>>)
    } else {
    }
    %add3A_79 = arith.constant 640 : i32
    %add3A_80 = arith.addi %add3A, %add3A_79 : i32
    %lt3A_81 = arith.constant 625 : i32
    %lt3A_82 = arith.cmpi slt, %add3A_80, %lt3A_81 : i32
    %convert_element_type3A_83 = arith.extui %lt3A_82 : i1 to i32
    %cond3A_84 = arith.constant 0 : i32
    %cond3A_85 = arith.cmpi ne, %convert_element_type3A_83, %cond3A_84 : i32
    scf.if %cond3A_85 {
      %mul3A_86 = arith.constant 160 : i32
      %mul3A_87 = arith.muli %add3A_80, %mul3A_86 : i32
      %dma_wait3A = arith.constant 2 : i32
      %dma_wait3A_88 = arith.constant 0 : i32
      %dma_wait3A_89 = arith.constant 0 : i32
      %dma_wait3A_90 = tpu.memref_slice %arg7[%dma_wait3A, %dma_wait3A_88, %dma_wait3A_89] : memref<3x160x128xf32, #tpu.memory_space<vmem>> -> memref<1x160x128xf32, #tpu.memory_space<vmem>>
      %dma_wait3A_91 = tpu.memref_squeeze %dma_wait3A_90 : memref<1x160x128xf32, #tpu.memory_space<vmem>> -> memref<160x128xf32, #tpu.memory_space<vmem>>
      %dma_wait3A_92 = arith.constant 0 : i32
      %dma_wait3A_93 = tpu.memref_slice %arg5[%mul3A_87, %dma_wait3A_92] : memref<100000x128xf32, #tpu.memory_space<hbm>> -> memref<160x128xf32, #tpu.memory_space<hbm>>
      %dma_wait3A_94 = arith.constant 0 : i32
      %dma_wait3A_95 = tpu.memref_slice %arg5[%mul3A_87, %dma_wait3A_94] : memref<100000x128xf32, #tpu.memory_space<hbm>> -> memref<160x128xf32, #tpu.memory_space<hbm>>
      %dma_wait3A_96 = arith.constant 0 : i32
      %dma_wait3A_97 = arith.constant 0 : i32
      %dma_wait3A_98 = tpu.memref_slice %arg7[%dma_wait3A, %dma_wait3A_96, %dma_wait3A_97] : memref<3x160x128xf32, #tpu.memory_space<vmem>> -> memref<1x160x128xf32, #tpu.memory_space<vmem>>
      %dma_wait3A_99 = tpu.memref_squeeze %dma_wait3A_98 : memref<1x160x128xf32, #tpu.memory_space<vmem>> -> memref<160x128xf32, #tpu.memory_space<vmem>>
      tpu.wait_dma2 semaphore(%arg17 : memref<!tpu.dma_semaphore, #tpu.memory_space<semaphore_mem>>) src(%dma_wait3A_99 : memref<160x128xf32, #tpu.memory_space<vmem>>) dst(%dma_wait3A_95 : memref<160x128xf32, #tpu.memory_space<hbm>>)
    } else {
    }
    return
  }
}

</mosaic_0001>

<sc_bundles>
// kernel: kernel.3.cloned.1.call-start
scs
__scs_entry_jumppad:
0x0: {  	(pc) =	sbr.rel $0x88, $3  }
0x1: {  	(tag) =	ssettag $0x0;
	lr =	simm.s32 $0x1  }
0x2: {  	[smem:$0x3F9E] =	sst lr;
	_ =	strace $0xD0000000  }
0x3: {  	_ = 	snop  }
0x4: {  	_ = 	snop  }
0x5: {  	_ = 	snop  }
0x6: {  	_ = 	snop  }
0x7: {  	_ = 	snop  }
__scs_overlays_trampoline_lowered:
0x8: {  	[smem:$0x3FAD] =	sst s0  }
0x9: {  	[smem:$0x3FAE] =	sst s1  }
0xa: {  	[smem:$0x3FAF] =	sst s2  }
0xb: {  	[smem:$0x3FB0] =	sst s3  }
0xc: {  	[smem:$0x3FB1] =	sst s4  }
0xd: {  	[smem:$0x3FB2] =	sst s5  }
0xe: {  	[smem:$0x3FB3] =	sst s6  }
0xf: {  	[smem:$0x3FB4] =	sst s7  }
0x10: {  	[smem:$0x3FB5] =	sst s8  }
0x11: {  	[smem:$0x3FB6] =	sst s9;
	s0 =	simm.s32 @!p0 $0x0  }
0x12: {  	s1 =	sld [smem:$0x3F9C];
	s0 =	simm.s32 @p0 $0x1  }
0x13: {  	[smem:$0x3FB7] =	sst s0;
	s0 =	simm.s32 @!p1 $0x0  }
0x14: {  	s2 =	sld [smem:$0x3F9B];
	s0 =	simm.s32 @p1 $0x1  }
0x15: {  	[smem:$0x3FB8] =	sst s0;
	s0 =	simm.s32 @!p2 $0x0  }
0x16: {  	s3 =	sld [smem:$0x3FDB];
	s0 =	simm.s32 @p2 $0x1  }
0x17: {  	s4 =	simm.s32 $0x1BF5;
	[smem:$0x3FBA] =	sst s0  }
0x18: {  	s0 =	sld [smem:$0x3F9D];
	_ =	swait.ge [sflag:s4], $0x0  }
0x19: {  	s7 =	sld [smem:$0x3F9E]  }
0x1a: {  	s8 =	sadd.s32 $0xFFFFE003, lr  }
0x1b: {  	s9 =	sadd.s32 $0xFFFFFEF7, lr;
	s5 =	simm.s32 $0xFFFFFFFF;
	p2 =	slt.u32 s8, $0xFFFFF086  }
0x1c: {  	p1 =	slt.u32 s9, $0xF7A;
	s5 =	simm.s32 @!p2 $0x0  }
0x1d: {  	s5 =	simm.s32 @p1 $0x1;
	p0 =	seq.s32 s7, s2  }
0x1e: {  	s7 =	smul.u32 @!p0 $0xF7A, s2;
	p2 =	seq.s32 @!p0 s5, $0x0  }
0x1f: {  	s9 =	smul.u32 $0xF7A, s1;
	s8 =	simm.s32 @!p0 $0x1BF5;
	p2 =	por !p2, p0  }
0x20: {  	[sflag:s8] =	ssyncset.s32 @!p0 $0xFFFFF086;
	s6 =	sadd.s32 @!p0 s3, s7;
	s7 =	simm.s32 @!p0 $0x108  }
0x21: {  	s3 =	sadd.s32 s3, s9;
	s6 =	sadd.s32 @!p0 $0x88, s6;
	s7 =	simm.s32 @p2 $0x1082  }
0x22: {  	[simem:s7], [sflag:s8] =	dma.local @!p0 [hbm:s6], $0xF7A  }
0x23: {  	s9 =	sor.u32 $0xD0000000, s2;
	s6 =	simm.s32 $0x108;
	_ =	swait.ge @!p0 [sflag:s8], $0x0  }
0x24: {  	s3 =	sadd.s32 $0x88, s3;
	s6 =	simm.s32 @!p1 $0x1082;
	[sflag:s4] =	ssyncset.s32 $0xFFFFF086  }
0x25: {  	[simem:s6], [sflag:s4] =	dma.local [hbm:s3], $0xF7A  }
0x26: {  	[smem:$0x3F9E] =	sst s1;
	(tag) =	ssettag s2;
	_ =	strace s9  }
0x27: {  	s1 =	sld [smem:$0x3FAE]  }
0x28: {  	s2 =	sld [smem:$0x3FAF]  }
0x29: {  	s4 =	sld [smem:$0x3FB1]  }
0x2a: {  	p0 =	seq.s32 s5, $0x0;
	s5 =	sld [smem:$0x3FB2]  }
0x2b: {  	s6 =	sld [smem:$0x3FB3]  }
0x2c: {  	s7 =	sld [smem:$0x3FB4]  }
0x2d: {  	s3 =	simm.s32 $0x108;
	s8 =	sld [smem:$0x3FB5]  }
0x2e: {  	s3 =	simm.s32 @!p0 $0x1082;
	s9 =	sld [smem:$0x3FB6]  }
0x2f: {  	lr =	sadd.s32 s0, s3;
	s0 =	sld [smem:$0x3FAD]  }
0x30: {  	s3 =	sld [smem:$0x3FB0]  }
0x31: {  	[smem:$0x3FB9] =	sst s10  }
0x32: {  	s10 =	sld [smem:$0x3FB7];
	_ =	sdelay $0x3  }
0x33: {  	p0 =	seq.s32 s10, $0x1;
	s10 =	sld [smem:$0x3FB9];
	_ =	sdelay $0x3  }
0x34: {  	[smem:$0x3FB9] =	sst s10  }
0x35: {  	s10 =	sld [smem:$0x3FB8];
	_ =	sdelay $0x3  }
0x36: {  	p1 =	seq.s32 s10, $0x1;
	s10 =	sld [smem:$0x3FB9];
	_ =	sdelay $0x3  }
0x37: {  	[smem:$0x3FB9] =	sst s10  }
0x38: {  	s10 =	sld [smem:$0x3FBA]  }
0x39: {  	_ = 	snop;
	(pc) =	sbr.ind lr, $3  }
0x3a: {  	_ = 	snop  }
0x3b: {  	_ = 	snop  }
0x3c: {  	p2 =	seq.s32 s10, $0x1;
	s10 =	sld [smem:$0x3FB9]  }
0x3d: {  	_ =	shalt  }
0x3e: {  	_ =	shalt  }
0x3f: {  	_ =	shalt  }
0x40: {  	_ =	shalt  }
0x41: {  	_ =	shalt  }
0x42: {  	_ =	shalt  }
0x43: {  	_ =	shalt  }
0x44: {  	_ =	shalt  }
0x45: {  	_ =	shalt  }
0x46: {  	_ =	shalt  }
0x47: {  	_ =	shalt  }
0x48: {  	_ =	shalt  }
0x49: {  	_ =	shalt  }
0x4a: {  	_ =	shalt  }
0x4b: {  	_ =	shalt  }
0x4c: {  	_ =	shalt  }
0x4d: {  	_ =	shalt  }
0x4e: {  	_ =	shalt  }
0x4f: {  	_ =	shalt  }
0x50: {  	_ =	shalt  }
0x51: {  	_ =	shalt  }
0x52: {  	_ =	shalt  }
0x53: {  	_ =	shalt  }
0x54: {  	_ =	shalt  }
0x55: {  	_ =	shalt  }
0x56: {  	_ =	shalt  }
0x57: {  	_ =	shalt  }
0x58: {  	_ =	shalt  }
0x59: {  	_ =	shalt  }
0x5a: {  	_ =	shalt  }
0x5b: {  	_ =	shalt  }
0x5c: {  	_ =	shalt  }
0x5d: {  	_ =	shalt  }
0x5e: {  	_ =	shalt  }
0x5f: {  	_ =	shalt  }
0x60: {  	_ =	shalt  }
0x61: {  	_ =	shalt  }
0x62: {  	_ =	shalt  }
0x63: {  	_ =	shalt  }
0x64: {  	_ =	shalt  }
0x65: {  	_ =	shalt  }
0x66: {  	_ =	shalt  }
0x67: {  	_ =	shalt  }
0x68: {  	_ =	shalt  }
0x69: {  	_ =	shalt  }
0x6a: {  	_ =	shalt  }
0x6b: {  	_ =	shalt  }
0x6c: {  	_ =	shalt  }
0x6d: {  	_ =	shalt  }
0x6e: {  	_ =	shalt  }
0x6f: {  	_ =	shalt  }
0x70: {  	_ =	shalt  }
0x71: {  	_ =	shalt  }
0x72: {  	_ =	shalt  }
0x73: {  	_ =	shalt  }
0x74: {  	_ =	shalt  }
0x75: {  	_ =	shalt  }
0x76: {  	_ =	shalt  }
0x77: {  	_ =	shalt  }
0x78: {  	_ =	shalt  }
0x79: {  	_ =	shalt  }
0x7a: {  	_ =	shalt  }
0x7b: {  	_ =	shalt  }
0x7c: {  	_ =	shalt  }
0x7d: {  	_ =	shalt  }
0x7e: {  	_ =	shalt  }
0x7f: {  	_ =	shalt  }
0x80: {  	_ =	shalt  }
0x81: {  	_ =	shalt  }
0x82: {  	_ =	shalt  }
0x83: {  	_ =	shalt  }
0x84: {  	_ =	shalt  }
0x85: {  	_ =	shalt  }
0x86: {  	_ =	shalt  }
0x87: {  	_ =	shalt  }
.Lfunc_end0:
.L_simem_size_0:
called_computation_lowered:
.L_overlay_start_0:
0x88: {  	s2 =	sld [smem:$0x3FD9]  }
0x89: {  	s3 =	sld [smem:$0x3FFE];
	_ =	sdelay $0x1  }
0x8a: {  	s1 =	srdreg.scid  }
0x8b: {  	s0 =	sand.u32 $0x1, s1  }
0x8c: {  	s18 =	sshll.u32 s0, $0xA;
	s2 =	sadd.s32 s3, s2  }
0x8d: {  	s2 =	sadd.s32 s2, s18  }
0x8e: {  	[smem:$0x3FC5] =	sst s2  }
0x8f: {  	_ = 	snop  }
0x90: {  	s2 =	sld [smem:$0x3FC9]  }
0x91: {  	s19 =	sld [smem:$0x3FC8]  }
0x92: {  	s4 =	sld [smem:$0x3FC7]  }
0x93: {  	s5 =	sld [smem:$0x3FD0];
	(tm) =	ssettm $0x1  }
0x94: {  	s6 =	sld [smem:$0x3FFB];
	_ =	sdelay $0x3  }
0x95: {  	_ =	strace s6  }
0x96: {  	s6 =	sld [smem:$0x3FFC];
	_ =	sdelay $0x3  }
0x97: {  	_ =	strace s6  }
0x98: {  	s6 =	sld [smem:$0x3FFD];
	_ =	sdelay $0x3  }
0x99: {  	_ =	strace s6  }
0x9a: {  	_ =	strace $0x8FFFFFFF  }
0x9b: {  	s20 =	sld [smem:$0x3FDB];
	_ =	sdelay $0x1  }
0x9c: {  	s7 =	simm.s32 $_scs_section_size  }
0x9d: {  	s8 =	simm.s32 $_size__tile_overlayer_lowered;
	s9 =	simm.s32 $_tile_overlayer_lowered  }
0x9e: {  	s23 =	simm.s32 $0x1BFF;
	s22 =	sshll.u32 s9, $0x1;
	s6 =	sadd.s32 s7, s20  }
0x9f: {  	s10 =	simm.s32 $0x0;
	s21 =	sshll.u32 s8, $0x1;
	s8 =	sadd.s32 s22, s6  }
0xa0: {  	[timem:s10], [sflag:s23] =	dma.local [hbm:s8], s21  }
0xa1: {  	_ =	swait.ge [sflag:s23], s21  }
0xa2: {  	s7 =	ssub.s32 $0x0, s21;
	[sflag:s23] =	ssyncset.done $0x0  }
0xa3: {  	[sflag:s23] =	ssyncadd.s32 s7;
	_ =	sdelay $0x1  }
0xa4: {  	s24 =	simm.s32 $0x1B8B  }
0xa5: {  	_ =	swait.ge [sflag:s24], $0x1  }
0xa6: {  	[sflag:s24] =	ssyncset.done $0x0  }
0xa7: {  	s25 =	simm.s32 $0x1B8E;
	[sflag:s24] =	ssyncadd.s32 $0xFFFFFFFF  }
0xa8: {  	s26 =	simm.s32 $execute0_lowered;
	[smem:$0x3FD2] =	sst s25  }
0xa9: {  	s7 =	sshll.u32 s26, $0x1;
	_ =	strace $0x80000046;
	[dreg:$0x1] =	wrdreg $0xFFFFFFFF  }
0xaa: {  	s28 =	simm.s32 $_size_execute0_lowered;
	s6 =	sadd.s32 s6, s7;
	[dreg:$0x0] =	wrdreg $0x0  }
0xab: {  	s7 =	sshll.u32 s28, $0x1;
	[dreg:$0x2] =	wrdreg s6  }
0xac: {  	[dreg:$0x3] =	wrdreg s7  }
0xad: {  	[dreg:$0x4] =	wrdreg $0xC0  }
0xae: {  	_ =	task [dreg:s10], $0x5FFFF  }
0xaf: {  	[dreg:$0x1] =	wrdreg $0xFFFFFFFF  }
0xb0: {  	[dreg:$0x0] =	wrdreg $0x60  }
0xb1: {  	[dreg:$0x2] =	wrdreg s2  }
0xb2: {  	[dreg:$0x3] =	wrdreg s19  }
0xb3: {  	[dreg:$0x4] =	wrdreg s4  }
0xb4: {  	[dreg:$0x5] =	wrdreg s5  }
0xb5: {  	[dreg:$0x6] =	wrdreg $0x9  }
0xb6: {  	_ =	task.clear_ibuf [dreg:s10], $0x7FFFF;
	_ =	strace $0x90000046  }
0xb7: {  	s29 =	simm.s32 $0x9;
	_ =	strace $0x80000048  }
0xb8: {  	_ =	swait.ge [sflag:s29], $0x1  }
0xb9: {  	[sflag:s29] =	ssyncadd.s32 $0xFFFFFFFF  }
0xba: {  	_ =	strace $0x90000048  }
0xbb: {  	_ =	sfence  }
0xbc: {  	s30 =	sld [smem:$0x0];
	_ =	sdelay $0x2  }
0xbd: {  	s31 =	sshll.u32 s1, $0xD;
	s1 =	sshrl.u32 s1, $0x2  }
0xbe: {  	s3 =	sand.u32 $0x4000, s31;
	s1 =	sadd.s32 s1, s30  }
0xbf: {  	s0 =	sor.u32 s3, s0;
	s1 =	sshll.u32 s1, $0x11  }
0xc0: {  	s0 =	sor.u32 s1, s0  }
0xc1: {  	s0 =	sadd.s32 $0x8F2B, s0  }
0xc2: {  	[sflag:s0] =	ssyncadd.remote.s32 $0x1  }
0xc3: {  	_ =	sfence.sel $0xFFFF  }
0xc4: {  	[dreg:$0x0] =	wrdreg $0xFFFFFFFF;
	(pc) =	sbr.abs _section_cstart, $3  }
0xc5: {  	[dreg:$0x1] =	wrdreg $0xFFFFFFFF  }
0xc6: {  	_ =	task.clear_ibuf [dreg:s10], $0x2FFFF;
	_ =	strace $0x9FFFFFFF  }
0xc7: {  	(tm) =	ssettm $0x7FFFFFFF  }
tec
execute0_lowered:
.L_overlay_start_1:
0x0: {  	(tag) =	ssettag $0x1  }
0x1: {  	s1 =	rddreg [dreg:$0x0]  }
0x2: {  	s2 =	rddreg [dreg:$0x1];
	s0 =	srdreg.scid  }
0x3: {  	s3 =	stileid.u32;
	s5 =	rddreg [dreg:$0x3];
	s6 =	simm.s32 $0x0  }
0x4: {  	s15 =	simm.s32 $0x1E000;
	s16 =	simm.s32 $0x1E100;
	s18 =	simm.s32 $0x1E300  }
0x5: {  	s20 =	simm.s32 $0x1;
	s21 =	simm.s32 $0xF000;
	s22 =	simm.s32 $0x2  }
0x6: {  	s23 =	simm.s32 $0x14000;
	s0 =	sand.u32 $0x1, s0;
	s3 =	sshll.u32 s3, $0x1  }
0x7: {  	s24 =	simm.s32 $0x3;
	s25 =	simm.s32 $0x1E200;
	s7 =	sor.u32 s0, s3  }
0x8: {  	s26 =	simm.s32 $0x19000;
	[smem:$0x7FF] =	sst s6;
	s3 =	smul.u32 $0xA0, s7  }
0x9: {  	s0 =	ssub.s32 $0x2, s0;
	_ =	strace $0x80000047;
	s8 =	smul.u32 $0x14, s7  }
0xa: {  	s4 =	sshrl.u32 s0, $0x1;
	s29 =	smul.u32 $0xA00, s7;
	s12 =	sor.u32 $0x20, s7  }
0xb: {  	s0 =	ssub.s32 s0, s4;
	s3 =	sadd.s32 $0x1400, s3;
	s8 =	sadd.s32 s2, s8  }
.Ltmp0:
0xc: {  	s4 =	sadd.s32 s1, s29;
	[dreg:$0x5] =	wrdreg s8;
	(pc) =	sbr.rel .LBB2_1-.Ltmp0, $4  }
0xd: {  	v0 =	vlaneseq.u32;
	s0 =	smax.u32 s0, $0x1;
	s30 =	sshrl.u32 s3, $0x3;
	[dreg:$0x6] =	wrdreg s4  }
0xe: {  	v1 =	vor.u32 $0x10, v0;
	s3 =	sshll.u32 s3, $0x4;
	[dreg:$0x9] =	wrdreg s0;
	s31 =	sadd.s32 s2, s30  }
0xf: {  	v2 =	vor.u32 $0x20, v0;
	v3 =	vor.u32 $0x30, v0;
	v4 =	vor.u32 $0x40, v0;
	s13 =	sor.u32 $0x40, s7;
	s3 =	sadd.s32 s1, s3;
	[dreg:$0x7] =	wrdreg s31  }
0x10: {  	v5 =	vor.u32 $0x50, v0;
	v6 =	vor.u32 $0x60, v0;
	v7 =	vor.u32 $0x70, v0;
	p0 =	sgt.u32 s7, $0x10;
	s4 =	simm.s32 $0x0;
	[dreg:$0x8] =	wrdreg s3  }
.LBB2_13:
0x11: {  	s0 =	simm.s32 $0x4  }
0x12: {  	_ =	swait.ge [sflag:s0], $0x5000  }
0x13: {  	[sflag:s0] =	ssyncset.done $0x0  }
0x14: {  	[sflag:s0] =	ssyncadd.s32 $0xFFFFB000;
	s0 =	simm.s32 @!p0 $0x5  }
0x15: {  	_ =	swait.ge @!p0 [sflag:s0], $0x5000  }
0x16: {  	s4 =	rddreg [dreg:$0xa]  }
0x17: {  	s3 =	rddreg [dreg:$0x9];
	s4 =	sadd.s32 $0x1, s4  }
0x18: {  	p1 =	sne.s32 s4, s3  }
.Ltmp1:
0x19: {  	_ = 	snop;
	(pc) =	sbr.rel @!p1 .LBB2_14-.Ltmp1, $3  }
0x1a: {  	_ =	sdelay $0x1  }
0x1b: {  	[sflag:s0] =	ssyncset.done @!p0 $0x0  }
0x1c: {  	[sflag:s0] =	ssyncadd.s32 @!p0 $0xFFFFB000  }
.LBB2_1:
0x1d: {  	[dreg:$0xa] =	wrdreg s4  }
0x1e: {  	s0 =	rddreg [dreg:$0x5]  }
0x1f: {  	[tilespmem:s15], [sflag:$0x1] =	stream.linear.gather [hbm4b:s0+s6], $0xA0, $0x38;
	[tilespmem:$0x1EB00] =	vst v63  }
0x20: {  	s17 =	rddreg [dreg:$0x6]  }
0x21: {  	[tilespmem:s6], [sflag:$0x1] =	stream.linear.gather [hbm4b:s17+s6], $0x5000, $0x38;
	[tilespmem:$0x1EB00] =	vst v63  }
0x22: {  	s19 =	rddreg [dreg:$0x7]  }
0x23: {  	[tilespmem:s16], [sflag:$0x2] =	stream.linear.gather [hbm4b:s19+s6], $0xA0, $0x38;
	[tilespmem:$0x1EB00] =	vst v63  }
0x24: {  	s28 =	rddreg [dreg:$0x8];
	s3 =	simm.s32 $0x5000  }
0x25: {  	[tilespmem:s3], [sflag:$0x2] =	stream.linear.gather [hbm4b:s28+s6], $0x5000, $0x38;
	[tilespmem:$0x1EB00] =	vst v63  }
.Ltmp2:
0x26: {  	s29 =	rddreg [dreg:$0x2];
	s31 =	simm.s32 $0x7;
	(pc) =	sbr.rel .LBB2_2-.Ltmp2, $4  }
0x27: {  	[tilespmem:s18], [sflag:$0x7] =	stream.linear.gather [hbm4b:s29+s6], $0x800, $0x38;
	[tilespmem:$0x1EB00] =	vst v63  }
0x28: {  	_ =	swait.ge [sflag:s31], $0x800  }
0x29: {  	[sflag:s31] =	ssyncset.done $0x0  }
0x2a: {  	s30 =	simm.s32 $0x0;
	[sflag:s31] =	ssyncadd.s32 $0xFFFFF800  }
.LBB2_12:
0x2b: {  	s30 =	sadd.s32 $0x1, s30  }
0x2c: {  	p1 =	sne.s32 s30, $0x7  }
.Ltmp3:
0x2d: {  	_ = 	snop;
	(pc) =	sbr.rel @!p1 .LBB2_13-.Ltmp3, $1  }
0x2e: {  	_ =	sdelay $0x3  }
.LBB2_2:
0x2f: {  	s31 =	smul.u32 $0x60, s30;
	_ =	sdelay $0x1  }
0x30: {  	s3 =	sor.u32 s7, s31  }
0x31: {  	p1 =	sgt.u32 s3, $0x230  }
0x32: {  	s0 =	sadd.s32 @!p1 $0x40, s3  }
0x33: {  	s4 =	smul.u32 @!p1 $0x14, s0  }
0x34: {  	s8 =	simm.s32 @!p1 $0x0  }
0x35: {  	s9 =	simm.s32 @!p1 $0x1E200;
	s0 =	smul.u32 @!p1 $0xA00, s0;
	s4 =	sadd.s32 @!p1 s2, s4  }
0x36: {  	[tilespmem:s9], [sflag:$0x3] =	stream.linear.gather @!p1 [hbm4b:s4+s8], $0xA0, $0x38;
	[tilespmem:$0x1EB00] =	vst v63  }
0x37: {  	s0 =	sadd.s32 @!p1 s1, s0;
	s4 =	simm.s32 @!p1 $0xA000  }
0x38: {  	[tilespmem:s4], [sflag:$0x3] =	stream.linear.gather @!p1 [hbm4b:s0+s8], $0x5000, $0x38;
	[tilespmem:$0x1EB00] =	vst v63  }
0x39: {  	p1 =	seq.s32 s30, $0x0  }
0x3a: {  	s0 =	simm.s32 @!p1 $0x4  }
0x3b: {  	_ =	swait.ge @!p1 [sflag:s0], $0x5000  }
0x3c: {  	[sflag:s0] =	ssyncset.done @!p1 $0x0  }
0x3d: {  	[sflag:s0] =	ssyncadd.s32 @!p1 $0xFFFFB000  }
0x3e: {  	s14 =	simm.s32 $0x0;
	_ =	swait.ge [sflag:s20], $0xA0  }
0x3f: {  	v8 =	vmov s14;
	[sflag:s20] =	ssyncset.done $0x0  }
0x40: {  	[sflag:s20] =	ssyncadd.s32 $0xFFFFFF60  }
0x41: {  	_ =	swait.ge [sflag:s20], $0x5000  }
0x42: {  	[sflag:s20] =	ssyncset.done $0x0  }
0x43: {  	[sflag:s20] =	ssyncadd.s32 $0xFFFFB000  }
0x44: {  	v8 =	vld.idx.msk [tilespmem:v8+s15+$0x0], $0xffff;
	_ =	sdelay $0x4  }
0x45: {  	v11 =	vshll.u32 v8, $0x7  }
0x46: {  	v8 =	vor.u32 v0, v11;
	_ =	sdelay $0x2  }
0x47: {  	s14 =	simm.s32 $0x40  }
0x48: {  	s17 =	simm.s32 $0x1;
	v9 =	vld [tilespmem:s14+$0xFFFFFFC0]  }
0x49: {  	v10 =	vmov s17;
	v8 =	vld.idx.msk [tilespmem:v8+s18+$0x0], $0xffff;
	_ =	sdelay $0x3  }
0x4a: {  	v12 =	vor.u32 v1, v11  }
0x4b: {  	v10 =	vld.idx.msk [tilespmem:v10+s15+$0x0], $0xffff;
	v8 =	vmul.f32 v9, v8  }
0x4c: {  	s0 =	simm.s32 $0xF040  }
0x4d: {  	[tilespmem:s0+$0xFFFFFFC0] =	vst v8  }
0x4e: {  	v9 =	vld [tilespmem:s14+$0xFFFFFFD0]  }
0x4f: {  	v12 =	vld.idx.msk [tilespmem:v12+s18+$0x0], $0xffff  }
0x50: {  	v8 =	vshll.u32 v10, $0x7  }
0x51: {  	v10 =	vor.u32 v0, v8  }
0x52: {  	v13 =	vor.u32 v2, v11;
	_ =	sdelay $0x1  }
0x53: {  	s8 =	simm.s32 $0xC0;
	v9 =	vmul.f32 v9, v12  }
0x54: {  	s19 =	simm.s32 $0x2;
	v12 =	vld [tilespmem:s8+$0xFFFFFFC0]  }
0x55: {  	v14 =	vmov s19;
	v10 =	vld.idx.msk [tilespmem:v10+s18+$0x0], $0xffff;
	[tilespmem:s0+$0xFFFFFFD0] =	vst v9  }
0x56: {  	v9 =	vld.idx.msk [tilespmem:v13+s18+$0x0], $0xffff  }
0x57: {  	v13 =	vld [tilespmem:s14+$0xFFFFFFE0];
	_ =	sdelay $0x1  }
0x58: {  	v15 =	vor.u32 v1, v8  }
0x59: {  	v14 =	vld.idx.msk [tilespmem:v14+s15+$0x0], $0xffff;
	v10 =	vmul.f32 v12, v10  }
0x5a: {  	s4 =	simm.s32 $0xF0C0;
	v12 =	vor.u32 v3, v11  }
0x5b: {  	[tilespmem:s4+$0xFFFFFFC0] =	vst v10;
	v9 =	vmul.f32 v13, v9  }
0x5c: {  	v10 =	vld [tilespmem:s8+$0xFFFFFFD0]  }
0x5d: {  	s29 =	simm.s32 $0x3;
	v13 =	vld.idx.msk [tilespmem:v15+s18+$0x0], $0xffff;
	[tilespmem:s0+$0xFFFFFFE0] =	vst v9  }
0x5e: {  	v16 =	vmov s29;
	v9 =	vshll.u32 v14, $0x7;
	v14 =	vld [tilespmem:s14+$0xFFFFFFF0]  }
0x5f: {  	v15 =	vor.u32 v0, v9;
	v12 =	vld.idx.msk [tilespmem:v12+s18+$0x0], $0xffff  }
0x60: {  	v17 =	vor.u32 v2, v8  }
0x61: {  	s9 =	simm.s32 $0x140  }
0x62: {  	v18 =	vld [tilespmem:s9+$0xFFFFFFC0];
	v10 =	vmul.f32 v10, v13;
	v13 =	vor.u32 v4, v11  }
0x63: {  	v16 =	vld.idx.msk [tilespmem:v16+s15+$0x0], $0xffff  }
0x64: {  	[tilespmem:s4+$0xFFFFFFD0] =	vst v10;
	v15 =	vld.idx.msk [tilespmem:v15+s18+$0x0], $0xffff;
	v10 =	vmul.f32 v14, v12  }
0x65: {  	v12 =	vld.idx.msk [tilespmem:v17+s18+$0x0], $0xffff  }
0x66: {  	v14 =	vld [tilespmem:s8+$0xFFFFFFE0];
	[tilespmem:s0+$0xFFFFFFF0] =	vst v10  }
0x67: {  	v10 =	vld.idx.msk [tilespmem:v13+s18+$0x0], $0xffff  }
0x68: {  	v13 =	vor.u32 v1, v9;
	v17 =	vld [tilespmem:s14+$0x0]  }
0x69: {  	v15 =	vmul.f32 v18, v15  }
0x6a: {  	s17 =	simm.s32 $0xF140;
	v18 =	vor.u32 v3, v8  }
0x6b: {  	v12 =	vmul.f32 v14, v12;
	[tilespmem:s17+$0xFFFFFFC0] =	vst v15  }
0x6c: {  	v15 =	vor.u32 v5, v11;
	v14 =	vld [tilespmem:s9+$0xFFFFFFD0]  }
0x6d: {  	[tilespmem:s4+$0xFFFFFFE0] =	vst v12;
	v13 =	vld.idx.msk [tilespmem:v13+s18+$0x0], $0xffff;
	v12 =	vmul.f32 v17, v10;
	v10 =	vshll.u32 v16, $0x7  }
0x6e: {  	s10 =	simm.s32 $0x4;
	v16 =	vld [tilespmem:s8+$0xFFFFFFF0];
	v17 =	vor.u32 v0, v10  }
0x6f: {  	v18 =	vld.idx.msk [tilespmem:v18+s18+$0x0], $0xffff;
	[tilespmem:s0+$0x0] =	vst v12;
	v12 =	vmov s10  }
0x70: {  	v20 =	vor.u32 v2, v9;
	v19 =	vld [tilespmem:s14+$0x10]  }
0x71: {  	s10 =	simm.s32 $0x1C0;
	v15 =	vld.idx.msk [tilespmem:v15+s18+$0x0], $0xffff  }
0x72: {  	v21 =	vld [tilespmem:s10+$0xFFFFFFC0];
	v13 =	vmul.f32 v14, v13;
	v14 =	vor.u32 v4, v8  }
0x73: {  	v17 =	vld.idx.msk [tilespmem:v17+s18+$0x0], $0xffff  }
0x74: {  	v12 =	vld.idx.msk [tilespmem:v12+s15+$0x0], $0xffff;
	[tilespmem:s17+$0xFFFFFFD0] =	vst v13;
	v13 =	vmul.f32 v16, v18;
	v16 =	vor.u32 v6, v11  }
0x75: {  	v18 =	vld.idx.msk [tilespmem:v20+s18+$0x0], $0xffff  }
0x76: {  	v20 =	vld [tilespmem:s9+$0xFFFFFFE0];
	[tilespmem:s4+$0xFFFFFFF0] =	vst v13;
	v13 =	vmul.f32 v19, v15  }
0x77: {  	v15 =	vld.idx.msk [tilespmem:v14+s18+$0x0], $0xffff  }
0x78: {  	v19 =	vor.u32 v1, v10;
	v22 =	vld [tilespmem:s8+$0x0];
	[tilespmem:s0+$0x10] =	vst v13  }
0x79: {  	v13 =	vmul.f32 v21, v17;
	v16 =	vld.idx.msk [tilespmem:v16+s18+$0x0], $0xffff  }
0x7a: {  	s11 =	simm.s32 $0xF1C0;
	v21 =	vld [tilespmem:s14+$0x20]  }
0x7b: {  	v17 =	vor.u32 v3, v9;
	[tilespmem:s11+$0xFFFFFFC0] =	vst v13;
	v13 =	vmul.f32 v20, v18  }
0x7c: {  	v18 =	vld [tilespmem:s10+$0xFFFFFFD0]  }
0x7d: {  	s19 =	simm.s32 $0x240;
	v19 =	vld.idx.msk [tilespmem:v19+s18+$0x0], $0xffff;
	[tilespmem:s17+$0xFFFFFFE0] =	vst v13;
	v13 =	vmul.f32 v22, v15;
	v15 =	vor.u32 v7, v11  }
0x7e: {  	v14 =	vld [tilespmem:s19+$0xFFFFFFC0];
	v20 =	vor.u32 v5, v8  }
0x7f: {  	v11 =	vshll.u32 v12, $0x7;
	v22 =	vld [tilespmem:s9+$0xFFFFFFF0];
	v12 =	vmul.f32 v21, v16  }
0x80: {  	s28 =	simm.s32 $0x5;
	v23 =	vor.u32 v0, v11;
	v17 =	vld.idx.msk [tilespmem:v17+s18+$0x0], $0xffff;
	[tilespmem:s4+$0x0] =	vst v13  }
0x81: {  	v16 =	vmov s28;
	v24 =	vld [tilespmem:s8+$0x10];
	[tilespmem:s0+$0x20] =	vst v12  }
0x82: {  	v25 =	vor.u32 v2, v10;
	v12 =	vld.idx.msk [tilespmem:v15+s18+$0x0], $0xffff;
	v15 =	vmul.f32 v18, v19  }
0x83: {  	v20 =	vld.idx.msk [tilespmem:v20+s18+$0x0], $0xffff  }
0x84: {  	v13 =	vld [tilespmem:s14+$0x30];
	[tilespmem:s11+$0xFFFFFFD0] =	vst v15;
	v15 =	vor.u32 v4, v9  }
0x85: {  	v21 =	vld.idx.msk [tilespmem:v23+s18+$0x0], $0xffff  }
0x86: {  	v22 =	vmul.f32 v22, v17;
	v18 =	vld.idx.msk [tilespmem:v16+s15+$0x0], $0xffff;
	v16 =	vor.u32 v6, v8  }
0x87: {  	v17 =	vld.idx.msk [tilespmem:v25+s18+$0x0], $0xffff  }
0x88: {  	s28 =	simm.s32 $0x6;
	s14 =	simm.s32 $0x240;
	v19 =	vld [tilespmem:s10+$0xFFFFFFE0];
	[tilespmem:s17+$0xFFFFFFF0] =	vst v22;
	v20 =	vmul.f32 v24, v20  }
.LBB2_3:
0x89: {  	p2 =	sne.s32 s28, $0x9F;
	v15 =	vld.idx.msk [tilespmem:v15+s18+$0x0], $0xffff;
	v12 =	vmul.f32 v13, v12  }
0x8a: {  	v13 =	vor.u32 v1, v11;
	v22 =	vld [tilespmem:s9+$0x0];
	[tilespmem:s4+$0x10] =	vst v20  }
0x8b: {  	v20 =	vmul.f32 v14, v21;
	v16 =	vld.idx.msk [tilespmem:v16+s18+$0x0], $0xffff;
	[tilespmem:s0+$0x30] =	vst v12;
	s0 =	smov.u32 s4;
	s4 =	smov.u32 s17;
	s17 =	smov.u32 s11  }
0x8c: {  	s19 =	sadd.s32 $0x80, s19;
	v12 =	vor.u32 v3, v10;
	s11 =	sadd.s32 $0x80, s11;
	v21 =	vld [tilespmem:s8+$0x20]  }
0x8d: {  	v14 =	vld [tilespmem:s19+$0xFFFFFFC0];
	[tilespmem:s11+$0xFFFFFFC0] =	vst v20;
	v17 =	vmul.f32 v19, v17  }
0x8e: {  	v20 =	vor.u32 v5, v9;
	v19 =	vld [tilespmem:s14+$0xFFFFFFD0]  }
0x8f: {  	v13 =	vld.idx.msk [tilespmem:v13+s18+$0x0], $0xffff;
	[tilespmem:s17+$0xFFFFFFE0] =	vst v17;
	v15 =	vmul.f32 v22, v15;
	v17 =	vor.u32 v7, v8;
	v8 =	vmov v9  }
0x90: {  	v9 =	vmov v10;
	v10 =	vmov v11;
	v11 =	vshll.u32 v18, $0x7;
	v22 =	vld [tilespmem:s10+$0xFFFFFFF0]  }
0x91: {  	v18 =	vor.u32 v0, v11;
	v23 =	vld.idx.msk [tilespmem:v12+s18+$0x0], $0xffff;
	[tilespmem:s4+$0x0] =	vst v15;
	v12 =	vmul.f32 v21, v16  }
0x92: {  	v16 =	vmov s28;
	v24 =	vld [tilespmem:s9+$0x10]  }
0x93: {  	v25 =	vor.u32 v2, v10;
	v20 =	vld.idx.msk [tilespmem:v20+s18+$0x0], $0xffff;
	[tilespmem:s0+$0x20] =	vst v12  }
0x94: {  	v12 =	vld.idx.msk [tilespmem:v17+s18+$0x0], $0xffff  }
.Ltmp4:
0x95: {  	v15 =	vor.u32 v4, v9;
	v17 =	vmul.f32 v19, v13;
	v13 =	vld [tilespmem:s8+$0x30];
	s8 =	smov.u32 s9;
	s9 =	smov.u32 s10;
	(pc) =	sbr.rel @p2 .LBB2_3-.Ltmp4, $4  }
0x96: {  	s10 =	smov.u32 s14;
	s14 =	smov.u32 s19;
	v21 =	vld.idx.msk [tilespmem:v18+s18+$0x0], $0xffff  }
0x97: {  	v22 =	vmul.f32 v22, v23;
	v18 =	vld.idx.msk [tilespmem:v16+s15+$0x0], $0xffff;
	[tilespmem:s11+$0xFFFFFFD0] =	vst v17;
	v16 =	vor.u32 v6, v8  }
0x98: {  	v17 =	vld.idx.msk [tilespmem:v25+s18+$0x0], $0xffff  }
0x99: {  	s28 =	sadd.s32 $0x1, s28;
	v20 =	vmul.f32 v24, v20;
	v19 =	vld [tilespmem:s10+$0xFFFFFFE0];
	[tilespmem:s17+$0xFFFFFFF0] =	vst v22  }
0x9a: {  	_ =	sdelay $0x1  }
0x9b: {  	v18 =	vshll.u32 v18, $0x7  }
0x9c: {  	v22 =	vor.u32 v0, v18;
	_ =	sdelay $0x2  }
0x9d: {  	s29 =	sadd.s32 $0x80, s19  }
0x9e: {  	v23 =	vld [tilespmem:s29+$0xFFFFFFC0]  }
0x9f: {  	v22 =	vld.idx.msk [tilespmem:v22+s18+$0x0], $0xffff;
	_ =	sdelay $0x1  }
0xa0: {  	v24 =	vor.u32 v1, v11  }
0xa1: {  	v14 =	vmul.f32 v14, v21  }
0xa2: {  	s19 =	sadd.s32 $0x80, s11;
	v46 =	vor.u32 v1, v18  }
0xa3: {  	[tilespmem:s19+$0xFFFFFFC0] =	vst v14;
	v47 =	vmul.f32 v23, v22  }
0xa4: {  	s28 =	sadd.s32 $0x80, s19;
	v48 =	vld [tilespmem:s14+$0xFFFFFFD0]  }
0xa5: {  	v49 =	vld.idx.msk [tilespmem:v24+s18+$0x0], $0xffff;
	[tilespmem:s28+$0xFFFFFFC0] =	vst v47  }
0xa6: {  	v14 =	vld [tilespmem:s29+$0xFFFFFFD0]  }
0xa7: {  	v21 =	vld.idx.msk [tilespmem:v46+s18+$0x0], $0xffff  }
0xa8: {  	v50 =	vor.u32 v2, v11;
	_ =	sdelay $0x1  }
0xa9: {  	v51 =	vor.u32 v2, v18;
	v22 =	vmul.f32 v48, v49;
	_ =	sdelay $0x1  }
0xaa: {  	[tilespmem:s19+$0xFFFFFFD0] =	vst v22;
	v14 =	vmul.f32 v14, v21  }
0xab: {  	v52 =	vld.idx.msk [tilespmem:v50+s18+$0x0], $0xffff  }
0xac: {  	v22 =	vld [tilespmem:s14+$0xFFFFFFE0];
	[tilespmem:s28+$0xFFFFFFD0] =	vst v14  }
0xad: {  	v14 =	vld.idx.msk [tilespmem:v51+s18+$0x0], $0xffff  }
0xae: {  	v53 =	vor.u32 v3, v10;
	v54 =	vld [tilespmem:s29+$0xFFFFFFE0]  }
0xaf: {  	v17 =	vmul.f32 v19, v17  }
0xb0: {  	v55 =	vor.u32 v3, v11  }
0xb1: {  	[tilespmem:s11+$0xFFFFFFE0] =	vst v17;
	v56 =	vmul.f32 v22, v52  }
0xb2: {  	v58 =	vor.u32 v3, v18;
	v57 =	vld [tilespmem:s10+$0xFFFFFFF0]  }
0xb3: {  	v23 =	vld.idx.msk [tilespmem:v53+s18+$0x0], $0xffff;
	[tilespmem:s19+$0xFFFFFFE0] =	vst v56;
	v14 =	vmul.f32 v54, v14  }
0xb4: {  	v17 =	vld [tilespmem:s14+$0xFFFFFFF0]  }
0xb5: {  	v19 =	vld.idx.msk [tilespmem:v55+s18+$0x0], $0xffff;
	[tilespmem:s28+$0xFFFFFFE0] =	vst v14  }
0xb6: {  	v60 =	vld [tilespmem:s29+$0xFFFFFFF0]  }
0xb7: {  	v59 =	vor.u32 v4, v10;
	v22 =	vld.idx.msk [tilespmem:v58+s18+$0x0], $0xffff  }
0xb8: {  	v15 =	vld.idx.msk [tilespmem:v15+s18+$0x0], $0xffff;
	v61 =	vor.u32 v4, v11;
	v21 =	vmul.f32 v57, v23  }
0xb9: {  	v25 =	vld [tilespmem:s9+$0x0];
	[tilespmem:s4+$0x10] =	vst v20  }
0xba: {  	v16 =	vld.idx.msk [tilespmem:v16+s18+$0x0], $0xffff;
	v62 =	vor.u32 v4, v18;
	[tilespmem:s11+$0xFFFFFFF0] =	vst v21;
	v17 =	vmul.f32 v17, v19  }
0xbb: {  	v63 =	vld [tilespmem:s10+$0x0]  }
0xbc: {  	v14 =	vld.idx.msk [tilespmem:v59+s18+$0x0], $0xffff;
	[tilespmem:s19+$0xFFFFFFF0] =	vst v17;
	v27 =	vmul.f32 v60, v22  }
0xbd: {  	v29 =	vld.idx.msk [tilespmem:v61+s18+$0x0], $0xffff  }
0xbe: {  	v28 =	vor.u32 v5, v9;
	v30 =	vld [tilespmem:s14+$0x0];
	[tilespmem:s28+$0xFFFFFFF0] =	vst v27  }
0xbf: {  	v15 =	vmul.f32 v25, v15;
	v17 =	vld.idx.msk [tilespmem:v62+s18+$0x0], $0xffff  }
0xc0: {  	v31 =	vor.u32 v5, v10;
	v32 =	vld [tilespmem:s29+$0x0]  }
0xc1: {  	v36 =	vld [tilespmem:s8+$0x20];
	[tilespmem:s17+$0x0] =	vst v15;
	v14 =	vmul.f32 v63, v14  }
0xc2: {  	v35 =	vor.u32 v5, v11;
	v33 =	vld [tilespmem:s9+$0x10]  }
0xc3: {  	v34 =	vld.idx.msk [tilespmem:v28+s18+$0x0], $0xffff;
	v37 =	vmul.f32 v30, v29;
	[tilespmem:s11+$0x0] =	vst v14  }
0xc4: {  	v39 =	vor.u32 v5, v18;
	v38 =	vld [tilespmem:s10+$0x10]  }
0xc5: {  	v8 =	vor.u32 v7, v8;
	[tilespmem:s19+$0x0] =	vst v37;
	v15 =	vld.idx.msk [tilespmem:v31+s18+$0x0], $0xffff;
	v17 =	vmul.f32 v32, v17  }
0xc6: {  	v41 =	vld [tilespmem:s14+$0x10]  }
0xc7: {  	v40 =	vor.u32 v6, v9;
	v16 =	vmul.f32 v36, v16;
	v21 =	vld.idx.msk [tilespmem:v35+s18+$0x0], $0xffff;
	[tilespmem:s28+$0x0] =	vst v17  }
0xc8: {  	v42 =	vor.u32 v6, v10;
	v20 =	vmul.f32 v33, v34;
	v43 =	vld [tilespmem:s29+$0x10]  }
0xc9: {  	[tilespmem:s4+$0x20] =	vst v16;
	v44 =	vld.idx.msk [tilespmem:v39+s18+$0x0], $0xffff  }
0xca: {  	v45 =	vor.u32 v6, v11;
	v8 =	vld.idx.msk [tilespmem:v8+s18+$0x0], $0xffff;
	[tilespmem:s17+$0x10] =	vst v20;
	v15 =	vmul.f32 v38, v15  }
0xcb: {  	v46 =	vld [tilespmem:s9+$0x20]  }
0xcc: {  	v49 =	vor.u32 v6, v18;
	v14 =	vld.idx.msk [tilespmem:v40+s18+$0x0], $0xffff;
	v48 =	vmul.f32 v41, v21;
	[tilespmem:s11+$0x10] =	vst v15  }
0xcd: {  	v17 =	vld.idx.msk [tilespmem:v42+s18+$0x0], $0xffff  }
0xce: {  	[tilespmem:s19+$0x10] =	vst v48;
	v51 =	vld [tilespmem:s10+$0x20];
	v50 =	vmul.f32 v43, v44  }
0xcf: {  	v52 =	vld.idx.msk [tilespmem:v45+s18+$0x0], $0xffff  }
0xd0: {  	v53 =	vor.u32 v7, v9;
	v54 =	vld [tilespmem:s14+$0x20];
	[tilespmem:s28+$0x10] =	vst v50  }
0xd1: {  	v55 =	vor.u32 v7, v10;
	v14 =	vmul.f32 v46, v14;
	v15 =	vld.idx.msk [tilespmem:v49+s18+$0x0], $0xffff  }
0xd2: {  	v56 =	vld [tilespmem:s29+$0x20]  }
0xd3: {  	v47 =	vld [tilespmem:s8+$0x30];
	v58 =	vor.u32 v7, v11;
	[tilespmem:s17+$0x20] =	vst v14;
	v17 =	vmul.f32 v51, v17  }
0xd4: {  	v57 =	vld [tilespmem:s9+$0x30]  }
0xd5: {  	v59 =	vor.u32 v7, v18;
	v9 =	vld.idx.msk [tilespmem:v53+s18+$0x0], $0xffff;
	v16 =	vmul.f32 v54, v52;
	[tilespmem:s11+$0x20] =	vst v17  }
0xd6: {  	v10 =	vld.idx.msk [tilespmem:v55+s18+$0x0], $0xffff  }
0xd7: {  	v60 =	vld [tilespmem:s10+$0x30];
	[tilespmem:s19+$0x20] =	vst v16;
	v14 =	vmul.f32 v56, v15  }
0xd8: {  	v11 =	vld.idx.msk [tilespmem:v58+s18+$0x0], $0xffff  }
0xd9: {  	v61 =	vld [tilespmem:s14+$0x30];
	[tilespmem:s28+$0x20] =	vst v14  }
0xda: {  	v14 =	vld.idx.msk [tilespmem:v59+s18+$0x0], $0xffff  }
0xdb: {  	v12 =	vmul.f32 v13, v12;
	v62 =	vld [tilespmem:s29+$0x30]  }
0xdc: {  	v8 =	vmul.f32 v47, v8  }
0xdd: {  	[tilespmem:s0+$0x30] =	vst v12;
	v9 =	vmul.f32 v57, v9  }
0xde: {  	s0 =	sadd.s32 s12, s31;
	[tilespmem:s4+$0x30] =	vst v8;
	v8 =	vmul.f32 v60, v10  }
0xdf: {  	p2 =	sgt.u32 s0, $0x230;
	[tilespmem:s17+$0x30] =	vst v9;
	v63 =	vmul.f32 v61, v11  }
0xe0: {  	s3 =	smul.u32 $0xA00, s3;
	s4 =	sadd.s32 @!p2 $0x40, s0;
	[tilespmem:s11+$0x30] =	vst v8;
	v8 =	vmul.f32 v62, v14  }
0xe1: {  	s8 =	smul.u32 @!p2 $0x14, s4;
	[tilespmem:s19+$0x30] =	vst v63  }
0xe2: {  	s3 =	sadd.s32 s5, s3;
	s4 =	smul.u32 @!p2 $0xA00, s4;
	[tilespmem:s28+$0x30] =	vst v8  }
0xe3: {  	[hbm4b:s3+s6] =	stream.linear.scatter [tilespmem:s21], [sflag:$0x4], $0x5000, $0x38;
	[tilespmem:$0x1EB00] =	vst v63  }
0xe4: {  	s9 =	simm.s32 @!p2 $0x1E000;
	s3 =	sadd.s32 @!p2 s2, s8;
	s8 =	simm.s32 @!p2 $0x0  }
0xe5: {  	[tilespmem:s9], [sflag:$0x1] =	stream.linear.gather @!p2 [hbm4b:s3+s8], $0xA0, $0x38;
	[tilespmem:$0x1EB00] =	vst v63  }
0xe6: {  	s3 =	sadd.s32 @!p2 s1, s4  }
0xe7: {  	[tilespmem:s8], [sflag:$0x1] =	stream.linear.gather @!p2 [hbm4b:s3+s8], $0x5000, $0x38;
	[tilespmem:$0x1EB00] =	vst v63  }
0xe8: {  	p2 =	sgt.u32 s0, $0x270  }
.Ltmp5:
0xe9: {  	_ = 	snop;
	(pc) =	sbr.rel @p2 .LBB2_8-.Ltmp5, $4  }
0xea: {  	s3 =	simm.s32 @!p1 $0x5  }
0xeb: {  	_ =	swait.ge @!p1 [sflag:s3], $0x5000  }
0xec: {  	[sflag:s3] =	ssyncset.done @!p1 $0x0  }
0xed: {  	[sflag:s3] =	ssyncadd.s32 @!p1 $0xFFFFB000  }
0xee: {  	_ =	swait.ge [sflag:s22], $0xA0;
	s3 =	simm.s32 $0x0  }
0xef: {  	[sflag:s22] =	ssyncset.done $0x0;
	v8 =	vmov s3  }
0xf0: {  	[sflag:s22] =	ssyncadd.s32 $0xFFFFFF60  }
0xf1: {  	_ =	swait.ge [sflag:s22], $0x5000  }
0xf2: {  	[sflag:s22] =	ssyncset.done $0x0  }
0xf3: {  	[sflag:s22] =	ssyncadd.s32 $0xFFFFB000  }
0xf4: {  	v8 =	vld.idx.msk [tilespmem:v8+s16+$0x0], $0xffff;
	_ =	sdelay $0x4  }
0xf5: {  	v11 =	vshll.u32 v8, $0x7  }
0xf6: {  	v8 =	vor.u32 v0, v11;
	_ =	sdelay $0x1  }
0xf7: {  	s4 =	simm.s32 $0x1  }
0xf8: {  	s3 =	simm.s32 $0x0;
	v10 =	vmov s4  }
0xf9: {  	v9 =	vld [tilespmem:s3+$0x5000]  }
0xfa: {  	v8 =	vld.idx.msk [tilespmem:v8+s18+$0x0], $0xffff;
	_ =	sdelay $0x2  }
0xfb: {  	v10 =	vld.idx.msk [tilespmem:v10+s16+$0x0], $0xffff;
	v12 =	vor.u32 v1, v11;
	_ =	sdelay $0x1  }
0xfc: {  	v8 =	vmul.f32 v9, v8;
	_ =	sdelay $0x1  }
0xfd: {  	[tilespmem:s3+$0x14000] =	vst v8;
	v8 =	vld [tilespmem:s3+$0x5010]  }
0xfe: {  	v9 =	vshll.u32 v10, $0x7;
	v12 =	vld.idx.msk [tilespmem:v12+s18+$0x0], $0xffff  }
0xff: {  	v10 =	vor.u32 v0, v9;
	_ =	sdelay $0x1  }
0x100: {  	v13 =	vor.u32 v2, v11;
	_ =	sdelay $0x1  }
0x101: {  	s8 =	simm.s32 $0x2;
	v14 =	vld [tilespmem:s3+$0x5020];
	v8 =	vmul.f32 v8, v12  }
0x102: {  	s4 =	simm.s32 $0x80;
	v15 =	vmov s8;
	v10 =	vld.idx.msk [tilespmem:v10+s18+$0x0], $0xffff  }
0x103: {  	v12 =	vld [tilespmem:s4+$0x5000];
	[tilespmem:s3+$0x14010] =	vst v8  }
0x104: {  	v8 =	vld.idx.msk [tilespmem:v13+s18+$0x0], $0xffff;
	_ =	sdelay $0x1  }
0x105: {  	v13 =	vor.u32 v1, v9  }
0x106: {  	v15 =	vld.idx.msk [tilespmem:v15+s16+$0x0], $0xffff;
	v16 =	vor.u32 v3, v11  }
0x107: {  	v10 =	vmul.f32 v12, v10  }
0x108: {  	v12 =	vld [tilespmem:s3+$0x5030];
	v8 =	vmul.f32 v14, v8  }
0x109: {  	[tilespmem:s4+$0x14000] =	vst v10;
	v10 =	vld [tilespmem:s4+$0x5010]  }
0x10a: {  	v13 =	vld.idx.msk [tilespmem:v13+s18+$0x0], $0xffff;
	[tilespmem:s3+$0x14020] =	vst v8  }
0x10b: {  	v8 =	vshll.u32 v15, $0x7;
	v14 =	vld.idx.msk [tilespmem:v16+s18+$0x0], $0xffff  }
0x10c: {  	v15 =	vor.u32 v0, v8  }
0x10d: {  	v16 =	vor.u32 v2, v9;
	_ =	sdelay $0x1  }
0x10e: {  	s17 =	simm.s32 $0x100;
	s29 =	simm.s32 $0x3;
	v18 =	vld [tilespmem:s4+$0x5020];
	v17 =	vor.u32 v4, v11;
	v10 =	vmul.f32 v10, v13  }
0x10f: {  	v13 =	vld [tilespmem:s17+$0x5000];
	v12 =	vmul.f32 v12, v14;
	v14 =	vmov s29  }
0x110: {  	[tilespmem:s4+$0x14010] =	vst v10;
	v15 =	vld.idx.msk [tilespmem:v15+s18+$0x0], $0xffff  }
0x111: {  	v10 =	vld.idx.msk [tilespmem:v16+s18+$0x0], $0xffff  }
0x112: {  	v19 =	vld [tilespmem:s3+$0x5040];
	[tilespmem:s3+$0x14030] =	vst v12  }
0x113: {  	v16 =	vor.u32 v1, v8;
	v12 =	vld.idx.msk [tilespmem:v17+s18+$0x0], $0xffff  }
0x114: {  	v17 =	vor.u32 v3, v9;
	v14 =	vld.idx.msk [tilespmem:v14+s16+$0x0], $0xffff  }
0x115: {  	v20 =	vld [tilespmem:s3+$0x5050];
	v13 =	vmul.f32 v13, v15  }
0x116: {  	v15 =	vor.u32 v5, v11;
	v10 =	vmul.f32 v18, v10;
	v18 =	vld [tilespmem:s4+$0x5030]  }
0x117: {  	[tilespmem:s17+$0x14000] =	vst v13;
	v13 =	vld [tilespmem:s17+$0x5010]  }
0x118: {  	[tilespmem:s4+$0x14020] =	vst v10;
	v12 =	vmul.f32 v19, v12;
	v16 =	vld.idx.msk [tilespmem:v16+s18+$0x0], $0xffff  }
0x119: {  	v17 =	vld.idx.msk [tilespmem:v17+s18+$0x0], $0xffff;
	v10 =	vshll.u32 v14, $0x7  }
0x11a: {  	v21 =	vld [tilespmem:s4+$0x5040];
	[tilespmem:s3+$0x14040] =	vst v12;
	v14 =	vor.u32 v0, v10  }
0x11b: {  	s8 =	simm.s32 $0x180;
	v12 =	vld.idx.msk [tilespmem:v15+s18+$0x0], $0xffff;
	v15 =	vor.u32 v2, v8  }
0x11c: {  	v23 =	vld [tilespmem:s8+$0x5000];
	v19 =	vor.u32 v4, v9  }
0x11d: {  	v24 =	vld [tilespmem:s4+$0x5050];
	v13 =	vmul.f32 v13, v16  }
0x11e: {  	s9 =	simm.s32 $0x4;
	v22 =	vor.u32 v6, v11;
	v16 =	vld [tilespmem:s17+$0x5020];
	v17 =	vmul.f32 v18, v17  }
0x11f: {  	v18 =	vmov s9;
	[tilespmem:s17+$0x14010] =	vst v13;
	v14 =	vld.idx.msk [tilespmem:v14+s18+$0x0], $0xffff  }
0x120: {  	[tilespmem:s4+$0x14030] =	vst v17;
	v12 =	vmul.f32 v20, v12;
	v13 =	vld.idx.msk [tilespmem:v15+s18+$0x0], $0xffff  }
0x121: {  	v15 =	vld.idx.msk [tilespmem:v19+s18+$0x0], $0xffff  }
0x122: {  	v19 =	vld [tilespmem:s3+$0x5060];
	[tilespmem:s3+$0x14050] =	vst v12  }
0x123: {  	v17 =	vor.u32 v1, v10;
	v12 =	vld.idx.msk [tilespmem:v22+s18+$0x0], $0xffff  }
0x124: {  	v20 =	vor.u32 v3, v8;
	v18 =	vld.idx.msk [tilespmem:v18+s16+$0x0], $0xffff;
	v14 =	vmul.f32 v23, v14  }
0x125: {  	v25 =	vld [tilespmem:s8+$0x5010];
	v22 =	vor.u32 v5, v9;
	v13 =	vmul.f32 v16, v13  }
0x126: {  	v23 =	vld [tilespmem:s17+$0x5030];
	v16 =	vor.u32 v7, v11;
	[tilespmem:s8+$0x14000] =	vst v14  }
0x127: {  	v11 =	vmul.f32 v21, v15;
	[tilespmem:s17+$0x14020] =	vst v13;
	v13 =	vld [tilespmem:s3+$0x5070]  }
0x128: {  	v15 =	vld.idx.msk [tilespmem:v17+s18+$0x0], $0xffff;
	v12 =	vmul.f32 v19, v12  }
0x129: {  	[tilespmem:s4+$0x14040] =	vst v11;
	v11 =	vshll.u32 v18, $0x7;
	v20 =	vld.idx.msk [tilespmem:v20+s18+$0x0], $0xffff  }
0x12a: {  	v26 =	vld.idx.msk [tilespmem:v22+s18+$0x0], $0xffff;
	v22 =	vor.u32 v0, v11;
	[tilespmem:s3+$0x14060] =	vst v12  }
0x12b: {  	v18 =	vor.u32 v2, v10;
	v12 =	vld.idx.msk [tilespmem:v16+s18+$0x0], $0xffff  }
0x12c: {  	s9 =	simm.s32 $0x200;
	v14 =	vld [tilespmem:s17+$0x5040];
	v17 =	vor.u32 v4, v8  }
0x12d: {  	v19 =	vld [tilespmem:s9+$0x5000];
	v16 =	vor.u32 v6, v9;
	v25 =	vmul.f32 v25, v15  }
0x12e: {  	s10 =	simm.s32 $0x5;
	v15 =	vld [tilespmem:s8+$0x5020];
	v21 =	vmul.f32 v23, v20  }
0x12f: {  	s11 =	simm.s32 $0xA00;
	s14 =	simm.s32 $0xC00;
	v23 =	vmov s10;
	v22 =	vld.idx.msk [tilespmem:v22+s18+$0x0], $0xffff;
	v20 =	vmul.f32 v24, v26;
	[tilespmem:s8+$0x14010] =	vst v25  }
.LBB2_6:
0x130: {  	p2 =	sne.s32 s14, $0x13E00;
	v18 =	vld.idx.msk [tilespmem:v18+s18+$0x0], $0xffff;
	[tilespmem:s17+$0x14030] =	vst v21;
	v12 =	vmul.f32 v13, v12  }
0x131: {  	v13 =	vld.idx.msk [tilespmem:v17+s18+$0x0], $0xffff;
	[tilespmem:s4+$0x14050] =	vst v20  }
0x132: {  	v16 =	vld.idx.msk [tilespmem:v16+s18+$0x0], $0xffff;
	[tilespmem:s3+$0x14070] =	vst v12;
	s3 =	smov.u32 s4;
	s4 =	smov.u32 s17;
	s17 =	smov.u32 s8  }
0x133: {  	v12 =	vor.u32 v1, v11;
	s8 =	smov.u32 s9;
	v17 =	vld [tilespmem:s3+$0x5060]  }
0x134: {  	v21 =	vor.u32 v3, v10;
	v20 =	vld.idx.msk [tilespmem:v23+s16+$0x0], $0xffff  }
0x135: {  	v19 =	vmul.f32 v19, v22;
	v22 =	vor.u32 v5, v8;
	v24 =	vld [tilespmem:s4+$0x5050]  }
0x136: {  	v15 =	vmul.f32 v15, v18;
	v18 =	vor.u32 v7, v9;
	v9 =	vmovc v8;
	v8 =	vmovc v10;
	v10 =	vmov v11;
	v23 =	vld [tilespmem:s17+$0x5030]  }
0x137: {  	v11 =	vmul.f32 v14, v13;
	[tilespmem:s8+$0x14000] =	vst v19;
	v19 =	vld [tilespmem:s8+$0x5010]  }
0x138: {  	v25 =	vld.idx.msk [tilespmem:v12+s18+$0x0], $0xffff;
	[tilespmem:s17+$0x14020] =	vst v15;
	v12 =	vmul.f32 v17, v16  }
0x139: {  	v21 =	vld.idx.msk [tilespmem:v21+s18+$0x0], $0xffff;
	[tilespmem:s4+$0x14040] =	vst v11  }
0x13a: {  	v11 =	vshll.u32 v20, $0x7;
	v20 =	vld.idx.msk [tilespmem:v22+s18+$0x0], $0xffff;
	[tilespmem:s3+$0x14060] =	vst v12  }
0x13b: {  	v22 =	vor.u32 v0, v11;
	v12 =	vld.idx.msk [tilespmem:v18+s18+$0x0], $0xffff  }
.Ltmp6:
0x13c: {  	v18 =	vor.u32 v2, v10;
	v13 =	vld [tilespmem:s3+$0x5070];
	(pc) =	sbr.rel @p2 .LBB2_6-.Ltmp6, $4  }
0x13d: {  	v17 =	vor.u32 v4, v8;
	v14 =	vld [tilespmem:s17+$0x5040]  }
0x13e: {  	s9 =	sshra.s32 s11, $0x2;
	s11 =	smov.u32 s14;
	v16 =	vor.u32 v6, v9;
	v25 =	vmul.f32 v19, v25;
	v15 =	vld [tilespmem:s8+$0x5020]  }
0x13f: {  	s10 =	sadd.s32 $0x1, s10;
	v21 =	vmul.f32 v23, v21;
	v19 =	vld [tilespmem:s9+$0x5000]  }
0x140: {  	s14 =	sadd.s32 $0x200, s14;
	v23 =	vmov s10;
	v20 =	vmul.f32 v24, v20;
	v22 =	vld.idx.msk [tilespmem:v22+s18+$0x0], $0xffff;
	[tilespmem:s8+$0x14010] =	vst v25  }
0x141: {  	_ =	sdelay $0x3  }
0x142: {  	v23 =	vld.idx.msk [tilespmem:v23+s16+$0x0], $0xffff;
	_ =	sdelay $0x4  }
0x143: {  	v23 =	vshll.u32 v23, $0x7  }
0x144: {  	v24 =	vor.u32 v0, v23;
	_ =	sdelay $0x2  }
0x145: {  	s10 =	sshra.s32 s11, $0x2  }
0x146: {  	v25 =	vld [tilespmem:s10+$0x5000]  }
0x147: {  	v24 =	vld.idx.msk [tilespmem:v24+s18+$0x0], $0xffff;
	_ =	sdelay $0x1  }
0x148: {  	v26 =	vor.u32 v1, v11  }
0x149: {  	v39 =	vor.u32 v1, v23  }
0x14a: {  	v19 =	vmul.f32 v19, v22  }
0x14b: {  	v40 =	vld [tilespmem:s9+$0x5010];
	v24 =	vmul.f32 v25, v24  }
0x14c: {  	v42 =	vld [tilespmem:s10+$0x5010];
	[tilespmem:s9+$0x14000] =	vst v19  }
0x14d: {  	v41 =	vld.idx.msk [tilespmem:v26+s18+$0x0], $0xffff;
	[tilespmem:s10+$0x14000] =	vst v24  }
0x14e: {  	v22 =	vld.idx.msk [tilespmem:v39+s18+$0x0], $0xffff;
	_ =	sdelay $0x1  }
0x14f: {  	v43 =	vor.u32 v2, v11  }
0x150: {  	v18 =	vld.idx.msk [tilespmem:v18+s18+$0x0], $0xffff;
	v44 =	vor.u32 v2, v23  }
0x151: {  	v27 =	vld [tilespmem:s9+$0x5020];
	v19 =	vmul.f32 v40, v41  }
0x152: {  	v50 =	vld [tilespmem:s8+$0x5030];
	v45 =	vmul.f32 v42, v22  }
0x153: {  	v48 =	vld [tilespmem:s10+$0x5020];
	[tilespmem:s9+$0x14010] =	vst v19  }
0x154: {  	v46 =	vor.u32 v3, v10;
	v47 =	vld.idx.msk [tilespmem:v43+s18+$0x0], $0xffff;
	[tilespmem:s10+$0x14010] =	vst v45  }
0x155: {  	v49 =	vld.idx.msk [tilespmem:v44+s18+$0x0], $0xffff  }
0x156: {  	v54 =	vld [tilespmem:s9+$0x5030];
	v15 =	vmul.f32 v15, v18  }
0x157: {  	v51 =	vor.u32 v3, v11;
	v57 =	vld [tilespmem:s8+$0x5040]  }
0x158: {  	v59 =	vld [tilespmem:s4+$0x5060];
	v53 =	vor.u32 v3, v23;
	[tilespmem:s8+$0x14020] =	vst v15  }
0x159: {  	v15 =	vld.idx.msk [tilespmem:v46+s18+$0x0], $0xffff;
	v52 =	vmul.f32 v27, v47  }
0x15a: {  	[tilespmem:s17+$0x14030] =	vst v21;
	v61 =	vld [tilespmem:s9+$0x5040];
	v18 =	vmul.f32 v48, v49  }
0x15b: {  	v56 =	vld [tilespmem:s10+$0x5030];
	[tilespmem:s9+$0x14020] =	vst v52  }
0x15c: {  	v55 =	vor.u32 v4, v10;
	v21 =	vld.idx.msk [tilespmem:v51+s18+$0x0], $0xffff;
	[tilespmem:s10+$0x14020] =	vst v18  }
0x15d: {  	v18 =	vld.idx.msk [tilespmem:v53+s18+$0x0], $0xffff  }
0x15e: {  	v63 =	vld [tilespmem:s17+$0x5050];
	v15 =	vmul.f32 v50, v15  }
0x15f: {  	v58 =	vor.u32 v4, v11;
	v30 =	vld [tilespmem:s8+$0x5050]  }
0x160: {  	v17 =	vld.idx.msk [tilespmem:v17+s18+$0x0], $0xffff;
	v60 =	vor.u32 v4, v23;
	[tilespmem:s8+$0x14030] =	vst v15  }
0x161: {  	[tilespmem:s4+$0x14050] =	vst v20;
	v15 =	vld.idx.msk [tilespmem:v55+s18+$0x0], $0xffff;
	v20 =	vmul.f32 v54, v21  }
0x162: {  	v16 =	vld.idx.msk [tilespmem:v16+s18+$0x0], $0xffff;
	v18 =	vmul.f32 v56, v18  }
0x163: {  	v62 =	vor.u32 v5, v8;
	v29 =	vld [tilespmem:s10+$0x5040];
	[tilespmem:s9+$0x14030] =	vst v20  }
0x164: {  	v28 =	vor.u32 v5, v10;
	v24 =	vld.idx.msk [tilespmem:v58+s18+$0x0], $0xffff;
	[tilespmem:s10+$0x14030] =	vst v18  }
0x165: {  	v9 =	vor.u32 v7, v9;
	v14 =	vmul.f32 v14, v17;
	v18 =	vld.idx.msk [tilespmem:v60+s18+$0x0], $0xffff  }
0x166: {  	v34 =	vld [tilespmem:s9+$0x5050];
	v15 =	vmul.f32 v57, v15  }
0x167: {  	v31 =	vor.u32 v5, v11;
	v37 =	vld [tilespmem:s10+$0x5050];
	v16 =	vmul.f32 v59, v16;
	[tilespmem:s17+$0x14040] =	vst v14  }
0x168: {  	v33 =	vor.u32 v5, v23;
	v32 =	vld.idx.msk [tilespmem:v62+s18+$0x0], $0xffff;
	[tilespmem:s8+$0x14040] =	vst v15  }
0x169: {  	[tilespmem:s4+$0x14060] =	vst v16;
	v15 =	vld.idx.msk [tilespmem:v28+s18+$0x0], $0xffff;
	v22 =	vmul.f32 v61, v24  }
0x16a: {  	v9 =	vld.idx.msk [tilespmem:v9+s18+$0x0], $0xffff;
	v17 =	vmul.f32 v29, v18  }
0x16b: {  	v41 =	vld [tilespmem:s17+$0x5060];
	[tilespmem:s9+$0x14040] =	vst v22  }
0x16c: {  	v36 =	vor.u32 v6, v10;
	v19 =	vld.idx.msk [tilespmem:v31+s18+$0x0], $0xffff;
	[tilespmem:s10+$0x14040] =	vst v17  }
0x16d: {  	v35 =	vor.u32 v6, v8;
	v38 =	vld.idx.msk [tilespmem:v33+s18+$0x0], $0xffff  }
0x16e: {  	v55 =	vld [tilespmem:s17+$0x5070];
	v14 =	vmul.f32 v30, v15  }
0x16f: {  	v39 =	vor.u32 v6, v11;
	v47 =	vld [tilespmem:s9+$0x5060];
	v20 =	vmul.f32 v63, v32  }
0x170: {  	v43 =	vor.u32 v6, v23;
	v45 =	vld [tilespmem:s8+$0x5060];
	[tilespmem:s8+$0x14050] =	vst v14  }
0x171: {  	[tilespmem:s17+$0x14050] =	vst v20;
	v44 =	vld.idx.msk [tilespmem:v36+s18+$0x0], $0xffff;
	v42 =	vmul.f32 v34, v19  }
0x172: {  	v40 =	vld.idx.msk [tilespmem:v35+s18+$0x0], $0xffff;
	v46 =	vmul.f32 v37, v38  }
0x173: {  	v51 =	vld [tilespmem:s10+$0x5060];
	[tilespmem:s9+$0x14050] =	vst v42  }
0x174: {  	v49 =	vor.u32 v7, v10;
	v15 =	vld.idx.msk [tilespmem:v39+s18+$0x0], $0xffff;
	[tilespmem:s10+$0x14050] =	vst v46  }
0x175: {  	v8 =	vor.u32 v7, v8;
	v50 =	vld.idx.msk [tilespmem:v43+s18+$0x0], $0xffff  }
0x176: {  	v52 =	vld [tilespmem:s4+$0x5070];
	v53 =	vmul.f32 v45, v44  }
0x177: {  	v54 =	vor.u32 v7, v11;
	v58 =	vld [tilespmem:s8+$0x5070];
	v48 =	vmul.f32 v41, v40  }
0x178: {  	v57 =	vor.u32 v7, v23;
	v61 =	vld [tilespmem:s10+$0x5070];
	[tilespmem:s8+$0x14060] =	vst v53  }
0x179: {  	[tilespmem:s17+$0x14060] =	vst v48;
	v10 =	vld.idx.msk [tilespmem:v49+s18+$0x0], $0xffff;
	v56 =	vmul.f32 v47, v15  }
0x17a: {  	v8 =	vld.idx.msk [tilespmem:v8+s18+$0x0], $0xffff;
	v59 =	vmul.f32 v51, v50  }
0x17b: {  	v60 =	vld [tilespmem:s9+$0x5070];
	[tilespmem:s9+$0x14060] =	vst v56  }
0x17c: {  	v11 =	vld.idx.msk [tilespmem:v54+s18+$0x0], $0xffff;
	[tilespmem:s10+$0x14060] =	vst v59  }
0x17d: {  	v12 =	vmul.f32 v13, v12;
	v14 =	vld.idx.msk [tilespmem:v57+s18+$0x0], $0xffff  }
0x17e: {  	v9 =	vmul.f32 v52, v9  }
0x17f: {  	[tilespmem:s3+$0x14070] =	vst v12;
	v8 =	vmul.f32 v55, v8  }
0x180: {  	[tilespmem:s4+$0x14070] =	vst v9;
	v62 =	vmul.f32 v58, v10  }
0x181: {  	[tilespmem:s17+$0x14070] =	vst v8;
	v8 =	vmul.f32 v60, v11  }
0x182: {  	s0 =	smul.u32 $0xA00, s0;
	[tilespmem:s8+$0x14070] =	vst v62;
	v63 =	vmul.f32 v61, v14  }
0x183: {  	[tilespmem:s9+$0x14070] =	vst v8  }
0x184: {  	s0 =	sadd.s32 s5, s0;
	[tilespmem:s10+$0x14070] =	vst v63  }
0x185: {  	[hbm4b:s0+s6] =	stream.linear.scatter [tilespmem:s23], [sflag:$0x5], $0x5000, $0x38;
	[tilespmem:$0x1EB00] =	vst v63  }
.LBB2_8:
0x186: {  	s0 =	sadd.s32 s13, s31  }
0x187: {  	p2 =	sgt.u32 s0, $0x230  }
0x188: {  	s3 =	sadd.s32 @!p2 $0x40, s0  }
0x189: {  	s4 =	smul.u32 @!p2 $0x14, s3  }
0x18a: {  	s8 =	simm.s32 @!p2 $0x0  }
0x18b: {  	s9 =	simm.s32 @!p2 $0x1E100;
	s3 =	smul.u32 @!p2 $0xA00, s3;
	s4 =	sadd.s32 @!p2 s2, s4  }
0x18c: {  	[tilespmem:s9], [sflag:$0x2] =	stream.linear.gather @!p2 [hbm4b:s4+s8], $0xA0, $0x38;
	[tilespmem:$0x1EB00] =	vst v63  }
0x18d: {  	s3 =	sadd.s32 @!p2 s1, s3;
	s4 =	simm.s32 @!p2 $0x5000  }
0x18e: {  	[tilespmem:s4], [sflag:$0x2] =	stream.linear.gather @!p2 [hbm4b:s3+s8], $0x5000, $0x38;
	[tilespmem:$0x1EB00] =	vst v63  }
0x18f: {  	p2 =	sgt.u32 s0, $0x270  }
.Ltmp7:
0x190: {  	_ = 	snop;
	(pc) =	sbr.rel @p2 .LBB2_12-.Ltmp7, $4  }
0x191: {  	s3 =	simm.s32 @!p1 $0x6  }
0x192: {  	_ =	swait.ge @!p1 [sflag:s3], $0x5000  }
0x193: {  	[sflag:s3] =	ssyncset.done @!p1 $0x0  }
0x194: {  	[sflag:s3] =	ssyncadd.s32 @!p1 $0xFFFFB000  }
0x195: {  	_ =	swait.ge [sflag:s24], $0xA0;
	s3 =	simm.s32 $0x0  }
0x196: {  	[sflag:s24] =	ssyncset.done $0x0;
	v8 =	vmov s3  }
0x197: {  	[sflag:s24] =	ssyncadd.s32 $0xFFFFFF60  }
0x198: {  	_ =	swait.ge [sflag:s24], $0x5000  }
0x199: {  	[sflag:s24] =	ssyncset.done $0x0  }
0x19a: {  	[sflag:s24] =	ssyncadd.s32 $0xFFFFB000  }
0x19b: {  	v8 =	vld.idx.msk [tilespmem:v8+s25+$0x0], $0xffff;
	_ =	sdelay $0x4  }
0x19c: {  	v11 =	vshll.u32 v8, $0x7  }
0x19d: {  	v8 =	vor.u32 v0, v11;
	_ =	sdelay $0x1  }
0x19e: {  	s4 =	simm.s32 $0x1  }
0x19f: {  	s3 =	simm.s32 $0x0;
	v10 =	vmov s4  }
0x1a0: {  	v9 =	vld [tilespmem:s3+$0xA000]  }
0x1a1: {  	v8 =	vld.idx.msk [tilespmem:v8+s18+$0x0], $0xffff;
	_ =	sdelay $0x2  }
0x1a2: {  	v10 =	vld.idx.msk [tilespmem:v10+s25+$0x0], $0xffff;
	v12 =	vor.u32 v1, v11;
	_ =	sdelay $0x1  }
0x1a3: {  	v8 =	vmul.f32 v9, v8;
	_ =	sdelay $0x1  }
0x1a4: {  	[tilespmem:s3+$0x19000] =	vst v8;
	v8 =	vld [tilespmem:s3+$0xA010]  }
0x1a5: {  	v9 =	vshll.u32 v10, $0x7;
	v12 =	vld.idx.msk [tilespmem:v12+s18+$0x0], $0xffff  }
0x1a6: {  	v10 =	vor.u32 v0, v9;
	_ =	sdelay $0x1  }
0x1a7: {  	v13 =	vor.u32 v2, v11;
	_ =	sdelay $0x1  }
0x1a8: {  	s8 =	simm.s32 $0x2;
	v14 =	vld [tilespmem:s3+$0xA020];
	v8 =	vmul.f32 v8, v12  }
0x1a9: {  	s4 =	simm.s32 $0x80;
	v15 =	vmov s8;
	v10 =	vld.idx.msk [tilespmem:v10+s18+$0x0], $0xffff  }
0x1aa: {  	v12 =	vld [tilespmem:s4+$0xA000];
	[tilespmem:s3+$0x19010] =	vst v8  }
0x1ab: {  	v8 =	vld.idx.msk [tilespmem:v13+s18+$0x0], $0xffff;
	_ =	sdelay $0x1  }
0x1ac: {  	v13 =	vor.u32 v1, v9  }
0x1ad: {  	v15 =	vld.idx.msk [tilespmem:v15+s25+$0x0], $0xffff;
	v16 =	vor.u32 v3, v11  }
0x1ae: {  	v10 =	vmul.f32 v12, v10  }
0x1af: {  	v12 =	vld [tilespmem:s3+$0xA030];
	v8 =	vmul.f32 v14, v8  }
0x1b0: {  	[tilespmem:s4+$0x19000] =	vst v10;
	v10 =	vld [tilespmem:s4+$0xA010]  }
0x1b1: {  	v13 =	vld.idx.msk [tilespmem:v13+s18+$0x0], $0xffff;
	[tilespmem:s3+$0x19020] =	vst v8  }
0x1b2: {  	v8 =	vshll.u32 v15, $0x7;
	v14 =	vld.idx.msk [tilespmem:v16+s18+$0x0], $0xffff  }
0x1b3: {  	v15 =	vor.u32 v0, v8  }
0x1b4: {  	v16 =	vor.u32 v2, v9;
	_ =	sdelay $0x1  }
0x1b5: {  	s17 =	simm.s32 $0x100;
	s31 =	simm.s32 $0x3;
	v18 =	vld [tilespmem:s4+$0xA020];
	v17 =	vor.u32 v4, v11;
	v10 =	vmul.f32 v10, v13  }
0x1b6: {  	v13 =	vld [tilespmem:s17+$0xA000];
	v12 =	vmul.f32 v12, v14;
	v14 =	vmov s31  }
0x1b7: {  	[tilespmem:s4+$0x19010] =	vst v10;
	v15 =	vld.idx.msk [tilespmem:v15+s18+$0x0], $0xffff  }
0x1b8: {  	v10 =	vld.idx.msk [tilespmem:v16+s18+$0x0], $0xffff  }
0x1b9: {  	v19 =	vld [tilespmem:s3+$0xA040];
	[tilespmem:s3+$0x19030] =	vst v12  }
0x1ba: {  	v16 =	vor.u32 v1, v8;
	v12 =	vld.idx.msk [tilespmem:v17+s18+$0x0], $0xffff  }
0x1bb: {  	v17 =	vor.u32 v3, v9;
	v14 =	vld.idx.msk [tilespmem:v14+s25+$0x0], $0xffff  }
0x1bc: {  	v20 =	vld [tilespmem:s3+$0xA050];
	v13 =	vmul.f32 v13, v15  }
0x1bd: {  	v15 =	vor.u32 v5, v11;
	v10 =	vmul.f32 v18, v10;
	v18 =	vld [tilespmem:s4+$0xA030]  }
0x1be: {  	[tilespmem:s17+$0x19000] =	vst v13;
	v13 =	vld [tilespmem:s17+$0xA010]  }
0x1bf: {  	[tilespmem:s4+$0x19020] =	vst v10;
	v12 =	vmul.f32 v19, v12;
	v16 =	vld.idx.msk [tilespmem:v16+s18+$0x0], $0xffff  }
0x1c0: {  	v17 =	vld.idx.msk [tilespmem:v17+s18+$0x0], $0xffff;
	v10 =	vshll.u32 v14, $0x7  }
0x1c1: {  	v21 =	vld [tilespmem:s4+$0xA040];
	[tilespmem:s3+$0x19040] =	vst v12;
	v14 =	vor.u32 v0, v10  }
0x1c2: {  	s8 =	simm.s32 $0x180;
	v12 =	vld.idx.msk [tilespmem:v15+s18+$0x0], $0xffff;
	v15 =	vor.u32 v2, v8  }
0x1c3: {  	v23 =	vld [tilespmem:s8+$0xA000];
	v19 =	vor.u32 v4, v9  }
0x1c4: {  	v24 =	vld [tilespmem:s4+$0xA050];
	v13 =	vmul.f32 v13, v16  }
0x1c5: {  	s9 =	simm.s32 $0x4;
	v22 =	vor.u32 v6, v11;
	v16 =	vld [tilespmem:s17+$0xA020];
	v17 =	vmul.f32 v18, v17  }
0x1c6: {  	v18 =	vmov s9;
	[tilespmem:s17+$0x19010] =	vst v13;
	v14 =	vld.idx.msk [tilespmem:v14+s18+$0x0], $0xffff  }
0x1c7: {  	[tilespmem:s4+$0x19030] =	vst v17;
	v12 =	vmul.f32 v20, v12;
	v13 =	vld.idx.msk [tilespmem:v15+s18+$0x0], $0xffff  }
0x1c8: {  	v15 =	vld.idx.msk [tilespmem:v19+s18+$0x0], $0xffff  }
0x1c9: {  	v19 =	vld [tilespmem:s3+$0xA060];
	[tilespmem:s3+$0x19050] =	vst v12  }
0x1ca: {  	v17 =	vor.u32 v1, v10;
	v12 =	vld.idx.msk [tilespmem:v22+s18+$0x0], $0xffff  }
0x1cb: {  	v20 =	vor.u32 v3, v8;
	v18 =	vld.idx.msk [tilespmem:v18+s25+$0x0], $0xffff;
	v14 =	vmul.f32 v23, v14  }
0x1cc: {  	v25 =	vld [tilespmem:s8+$0xA010];
	v22 =	vor.u32 v5, v9;
	v13 =	vmul.f32 v16, v13  }
0x1cd: {  	v23 =	vld [tilespmem:s17+$0xA030];
	v16 =	vor.u32 v7, v11;
	[tilespmem:s8+$0x19000] =	vst v14  }
0x1ce: {  	v11 =	vmul.f32 v21, v15;
	[tilespmem:s17+$0x19020] =	vst v13;
	v13 =	vld [tilespmem:s3+$0xA070]  }
0x1cf: {  	v15 =	vld.idx.msk [tilespmem:v17+s18+$0x0], $0xffff;
	v12 =	vmul.f32 v19, v12  }
0x1d0: {  	[tilespmem:s4+$0x19040] =	vst v11;
	v11 =	vshll.u32 v18, $0x7;
	v20 =	vld.idx.msk [tilespmem:v20+s18+$0x0], $0xffff  }
0x1d1: {  	v26 =	vld.idx.msk [tilespmem:v22+s18+$0x0], $0xffff;
	v22 =	vor.u32 v0, v11;
	[tilespmem:s3+$0x19060] =	vst v12  }
0x1d2: {  	v18 =	vor.u32 v2, v10;
	v12 =	vld.idx.msk [tilespmem:v16+s18+$0x0], $0xffff  }
0x1d3: {  	s9 =	simm.s32 $0x200;
	v14 =	vld [tilespmem:s17+$0xA040];
	v17 =	vor.u32 v4, v8  }
0x1d4: {  	v19 =	vld [tilespmem:s9+$0xA000];
	v16 =	vor.u32 v6, v9;
	v25 =	vmul.f32 v25, v15  }
0x1d5: {  	s10 =	simm.s32 $0x5;
	v15 =	vld [tilespmem:s8+$0xA020];
	v21 =	vmul.f32 v23, v20  }
0x1d6: {  	s11 =	simm.s32 $0xA00;
	s14 =	simm.s32 $0xC00;
	v23 =	vmov s10;
	v22 =	vld.idx.msk [tilespmem:v22+s18+$0x0], $0xffff;
	v20 =	vmul.f32 v24, v26;
	[tilespmem:s8+$0x19010] =	vst v25  }
.LBB2_10:
0x1d7: {  	p1 =	sne.s32 s14, $0x13E00;
	v18 =	vld.idx.msk [tilespmem:v18+s18+$0x0], $0xffff;
	[tilespmem:s17+$0x19030] =	vst v21;
	v12 =	vmul.f32 v13, v12  }
0x1d8: {  	v13 =	vld.idx.msk [tilespmem:v17+s18+$0x0], $0xffff;
	[tilespmem:s4+$0x19050] =	vst v20  }
0x1d9: {  	v16 =	vld.idx.msk [tilespmem:v16+s18+$0x0], $0xffff;
	[tilespmem:s3+$0x19070] =	vst v12;
	s3 =	smov.u32 s4;
	s4 =	smov.u32 s17;
	s17 =	smov.u32 s8  }
0x1da: {  	v12 =	vor.u32 v1, v11;
	s8 =	smov.u32 s9;
	v17 =	vld [tilespmem:s3+$0xA060]  }
0x1db: {  	v21 =	vor.u32 v3, v10;
	v20 =	vld.idx.msk [tilespmem:v23+s25+$0x0], $0xffff  }
0x1dc: {  	v19 =	vmul.f32 v19, v22;
	v22 =	vor.u32 v5, v8;
	v24 =	vld [tilespmem:s4+$0xA050]  }
0x1dd: {  	v15 =	vmul.f32 v15, v18;
	v18 =	vor.u32 v7, v9;
	v9 =	vmovc v8;
	v8 =	vmovc v10;
	v10 =	vmov v11;
	v23 =	vld [tilespmem:s17+$0xA030]  }
0x1de: {  	v11 =	vmul.f32 v14, v13;
	[tilespmem:s8+$0x19000] =	vst v19;
	v19 =	vld [tilespmem:s8+$0xA010]  }
0x1df: {  	v25 =	vld.idx.msk [tilespmem:v12+s18+$0x0], $0xffff;
	[tilespmem:s17+$0x19020] =	vst v15;
	v12 =	vmul.f32 v17, v16  }
0x1e0: {  	v21 =	vld.idx.msk [tilespmem:v21+s18+$0x0], $0xffff;
	[tilespmem:s4+$0x19040] =	vst v11  }
0x1e1: {  	v11 =	vshll.u32 v20, $0x7;
	v20 =	vld.idx.msk [tilespmem:v22+s18+$0x0], $0xffff;
	[tilespmem:s3+$0x19060] =	vst v12  }
0x1e2: {  	v22 =	vor.u32 v0, v11;
	v12 =	vld.idx.msk [tilespmem:v18+s18+$0x0], $0xffff  }
.Ltmp8:
0x1e3: {  	v18 =	vor.u32 v2, v10;
	v13 =	vld [tilespmem:s3+$0xA070];
	(pc) =	sbr.rel @p1 .LBB2_10-.Ltmp8, $4  }
0x1e4: {  	v17 =	vor.u32 v4, v8;
	v14 =	vld [tilespmem:s17+$0xA040]  }
0x1e5: {  	s9 =	sshra.s32 s11, $0x2;
	s11 =	smov.u32 s14;
	v16 =	vor.u32 v6, v9;
	v25 =	vmul.f32 v19, v25;
	v15 =	vld [tilespmem:s8+$0xA020]  }
0x1e6: {  	s10 =	sadd.s32 $0x1, s10;
	v21 =	vmul.f32 v23, v21;
	v19 =	vld [tilespmem:s9+$0xA000]  }
0x1e7: {  	s14 =	sadd.s32 $0x200, s14;
	v23 =	vmov s10;
	v20 =	vmul.f32 v24, v20;
	v22 =	vld.idx.msk [tilespmem:v22+s18+$0x0], $0xffff;
	[tilespmem:s8+$0x19010] =	vst v25  }
0x1e8: {  	_ =	sdelay $0x3  }
0x1e9: {  	v23 =	vld.idx.msk [tilespmem:v23+s25+$0x0], $0xffff;
	_ =	sdelay $0x4  }
0x1ea: {  	v23 =	vshll.u32 v23, $0x7  }
0x1eb: {  	v24 =	vor.u32 v0, v23;
	_ =	sdelay $0x2  }
0x1ec: {  	s10 =	sshra.s32 s11, $0x2  }
0x1ed: {  	v25 =	vld [tilespmem:s10+$0xA000]  }
0x1ee: {  	v24 =	vld.idx.msk [tilespmem:v24+s18+$0x0], $0xffff;
	_ =	sdelay $0x1  }
0x1ef: {  	v26 =	vor.u32 v1, v11  }
0x1f0: {  	v39 =	vor.u32 v1, v23  }
0x1f1: {  	v19 =	vmul.f32 v19, v22  }
0x1f2: {  	v40 =	vld [tilespmem:s9+$0xA010];
	v24 =	vmul.f32 v25, v24  }
0x1f3: {  	v42 =	vld [tilespmem:s10+$0xA010];
	[tilespmem:s9+$0x19000] =	vst v19  }
0x1f4: {  	v41 =	vld.idx.msk [tilespmem:v26+s18+$0x0], $0xffff;
	[tilespmem:s10+$0x19000] =	vst v24  }
0x1f5: {  	v22 =	vld.idx.msk [tilespmem:v39+s18+$0x0], $0xffff;
	_ =	sdelay $0x1  }
0x1f6: {  	v43 =	vor.u32 v2, v11  }
0x1f7: {  	v18 =	vld.idx.msk [tilespmem:v18+s18+$0x0], $0xffff;
	v44 =	vor.u32 v2, v23  }
0x1f8: {  	v27 =	vld [tilespmem:s9+$0xA020];
	v19 =	vmul.f32 v40, v41  }
0x1f9: {  	v50 =	vld [tilespmem:s8+$0xA030];
	v45 =	vmul.f32 v42, v22  }
0x1fa: {  	v48 =	vld [tilespmem:s10+$0xA020];
	[tilespmem:s9+$0x19010] =	vst v19  }
0x1fb: {  	v46 =	vor.u32 v3, v10;
	v47 =	vld.idx.msk [tilespmem:v43+s18+$0x0], $0xffff;
	[tilespmem:s10+$0x19010] =	vst v45  }
0x1fc: {  	v49 =	vld.idx.msk [tilespmem:v44+s18+$0x0], $0xffff  }
0x1fd: {  	v54 =	vld [tilespmem:s9+$0xA030];
	v15 =	vmul.f32 v15, v18  }
0x1fe: {  	v51 =	vor.u32 v3, v11;
	v57 =	vld [tilespmem:s8+$0xA040]  }
0x1ff: {  	v59 =	vld [tilespmem:s4+$0xA060];
	v53 =	vor.u32 v3, v23;
	[tilespmem:s8+$0x19020] =	vst v15  }
0x200: {  	v15 =	vld.idx.msk [tilespmem:v46+s18+$0x0], $0xffff;
	v52 =	vmul.f32 v27, v47  }
0x201: {  	[tilespmem:s17+$0x19030] =	vst v21;
	v61 =	vld [tilespmem:s9+$0xA040];
	v18 =	vmul.f32 v48, v49  }
0x202: {  	v56 =	vld [tilespmem:s10+$0xA030];
	[tilespmem:s9+$0x19020] =	vst v52  }
0x203: {  	v55 =	vor.u32 v4, v10;
	v21 =	vld.idx.msk [tilespmem:v51+s18+$0x0], $0xffff;
	[tilespmem:s10+$0x19020] =	vst v18  }
0x204: {  	v18 =	vld.idx.msk [tilespmem:v53+s18+$0x0], $0xffff  }
0x205: {  	v63 =	vld [tilespmem:s17+$0xA050];
	v15 =	vmul.f32 v50, v15  }
0x206: {  	v58 =	vor.u32 v4, v11;
	v30 =	vld [tilespmem:s8+$0xA050]  }
0x207: {  	v17 =	vld.idx.msk [tilespmem:v17+s18+$0x0], $0xffff;
	v60 =	vor.u32 v4, v23;
	[tilespmem:s8+$0x19030] =	vst v15  }
0x208: {  	[tilespmem:s4+$0x19050] =	vst v20;
	v15 =	vld.idx.msk [tilespmem:v55+s18+$0x0], $0xffff;
	v20 =	vmul.f32 v54, v21  }
0x209: {  	v16 =	vld.idx.msk [tilespmem:v16+s18+$0x0], $0xffff;
	v18 =	vmul.f32 v56, v18  }
0x20a: {  	v62 =	vor.u32 v5, v8;
	v29 =	vld [tilespmem:s10+$0xA040];
	[tilespmem:s9+$0x19030] =	vst v20  }
0x20b: {  	v28 =	vor.u32 v5, v10;
	v24 =	vld.idx.msk [tilespmem:v58+s18+$0x0], $0xffff;
	[tilespmem:s10+$0x19030] =	vst v18  }
0x20c: {  	v9 =	vor.u32 v7, v9;
	v14 =	vmul.f32 v14, v17;
	v18 =	vld.idx.msk [tilespmem:v60+s18+$0x0], $0xffff  }
0x20d: {  	v34 =	vld [tilespmem:s9+$0xA050];
	v15 =	vmul.f32 v57, v15  }
0x20e: {  	v31 =	vor.u32 v5, v11;
	v37 =	vld [tilespmem:s10+$0xA050];
	v16 =	vmul.f32 v59, v16;
	[tilespmem:s17+$0x19040] =	vst v14  }
0x20f: {  	v33 =	vor.u32 v5, v23;
	v32 =	vld.idx.msk [tilespmem:v62+s18+$0x0], $0xffff;
	[tilespmem:s8+$0x19040] =	vst v15  }
0x210: {  	[tilespmem:s4+$0x19060] =	vst v16;
	v15 =	vld.idx.msk [tilespmem:v28+s18+$0x0], $0xffff;
	v22 =	vmul.f32 v61, v24  }
0x211: {  	v9 =	vld.idx.msk [tilespmem:v9+s18+$0x0], $0xffff;
	v17 =	vmul.f32 v29, v18  }
0x212: {  	v41 =	vld [tilespmem:s17+$0xA060];
	[tilespmem:s9+$0x19040] =	vst v22  }
0x213: {  	v36 =	vor.u32 v6, v10;
	v19 =	vld.idx.msk [tilespmem:v31+s18+$0x0], $0xffff;
	[tilespmem:s10+$0x19040] =	vst v17  }
0x214: {  	v35 =	vor.u32 v6, v8;
	v38 =	vld.idx.msk [tilespmem:v33+s18+$0x0], $0xffff  }
0x215: {  	v55 =	vld [tilespmem:s17+$0xA070];
	v14 =	vmul.f32 v30, v15  }
0x216: {  	v39 =	vor.u32 v6, v11;
	v47 =	vld [tilespmem:s9+$0xA060];
	v20 =	vmul.f32 v63, v32  }
0x217: {  	v43 =	vor.u32 v6, v23;
	v45 =	vld [tilespmem:s8+$0xA060];
	[tilespmem:s8+$0x19050] =	vst v14  }
0x218: {  	[tilespmem:s17+$0x19050] =	vst v20;
	v44 =	vld.idx.msk [tilespmem:v36+s18+$0x0], $0xffff;
	v42 =	vmul.f32 v34, v19  }
0x219: {  	v40 =	vld.idx.msk [tilespmem:v35+s18+$0x0], $0xffff;
	v46 =	vmul.f32 v37, v38  }
0x21a: {  	v51 =	vld [tilespmem:s10+$0xA060];
	[tilespmem:s9+$0x19050] =	vst v42  }
0x21b: {  	v49 =	vor.u32 v7, v10;
	v15 =	vld.idx.msk [tilespmem:v39+s18+$0x0], $0xffff;
	[tilespmem:s10+$0x19050] =	vst v46  }
0x21c: {  	v8 =	vor.u32 v7, v8;
	v50 =	vld.idx.msk [tilespmem:v43+s18+$0x0], $0xffff  }
0x21d: {  	v52 =	vld [tilespmem:s4+$0xA070];
	v53 =	vmul.f32 v45, v44  }
0x21e: {  	v54 =	vor.u32 v7, v11;
	v58 =	vld [tilespmem:s8+$0xA070];
	v48 =	vmul.f32 v41, v40  }
0x21f: {  	v57 =	vor.u32 v7, v23;
	v61 =	vld [tilespmem:s10+$0xA070];
	[tilespmem:s8+$0x19060] =	vst v53  }
0x220: {  	[tilespmem:s17+$0x19060] =	vst v48;
	v10 =	vld.idx.msk [tilespmem:v49+s18+$0x0], $0xffff;
	v56 =	vmul.f32 v47, v15  }
0x221: {  	v8 =	vld.idx.msk [tilespmem:v8+s18+$0x0], $0xffff;
	v59 =	vmul.f32 v51, v50  }
0x222: {  	v60 =	vld [tilespmem:s9+$0xA070];
	[tilespmem:s9+$0x19060] =	vst v56  }
0x223: {  	v11 =	vld.idx.msk [tilespmem:v54+s18+$0x0], $0xffff;
	[tilespmem:s10+$0x19060] =	vst v59  }
0x224: {  	v12 =	vmul.f32 v13, v12;
	v14 =	vld.idx.msk [tilespmem:v57+s18+$0x0], $0xffff  }
0x225: {  	v9 =	vmul.f32 v52, v9  }
0x226: {  	[tilespmem:s3+$0x19070] =	vst v12;
	v8 =	vmul.f32 v55, v8  }
0x227: {  	[tilespmem:s4+$0x19070] =	vst v9;
	v62 =	vmul.f32 v58, v10  }
.Ltmp9:
0x228: {  	[tilespmem:s17+$0x19070] =	vst v8;
	v8 =	vmul.f32 v60, v11;
	(pc) =	sbr.rel .LBB2_12-.Ltmp9, $4  }
0x229: {  	s0 =	smul.u32 $0xA00, s0;
	[tilespmem:s8+$0x19070] =	vst v62;
	v63 =	vmul.f32 v61, v14  }
0x22a: {  	[tilespmem:s9+$0x19070] =	vst v8  }
0x22b: {  	s0 =	sadd.s32 s5, s0;
	[tilespmem:s10+$0x19070] =	vst v63  }
0x22c: {  	[hbm4b:s0+s6] =	stream.linear.scatter [tilespmem:s26], [sflag:$0x6], $0x5000, $0x38;
	[tilespmem:$0x1EB00] =	vst v63  }
.LBB2_14:
0x22d: {  	_ =	sfence.sel $0x180000  }
0x22e: {  	[bflag:$0x0] =	sbarrier.arrive $0xFFFF  }
0x22f: {  	_ =	strace $0x90000047  }
0x230: {  	s0 =	stileid.u32;
	[bflag:$0x2] =	sbarrier.arrive $0xFFFF  }
0x231: {  	p0 =	sne.s32 s0, $0x0;
	s0 =	rddreg [dreg:$0x4]  }
0x232: {  	s0 =	sadd.s32 @!p0 $0x100000, s0  }
0x233: {  	[sflag:s0] =	ssyncadd.tile.s32 @!p0 $0x1;
	_ =	shalt  }
.Lfunc_end2:
_tile_overlayer_lowered:
.L_overlay_start_2:
0x234: {  	(tag) =	ssettag $0x2  }
0x235: {  	s0 =	rddreg [dreg:$0x0];
	s2 =	stileid.u32  }
0x236: {  	s1 =	rddreg [dreg:$0x1];
	p0 =	sne.s32 s2, $0x0  }
0x237: {  	s3 =	rddreg [dreg:$0x2];
	[bflag:$0x3] =	sbarrier.arrive $0xFFFF;
	s2 =	simm.s32 @!p0 $0x1C07  }
0x238: {  	[timem:s3], [sflag:s2] =	dma.local @!p0 [hbm:s0], s1  }
0x239: {  	s0 =	simm.s32 @!p0 $0x7  }
0x23a: {  	_ =	swait.ge @!p0 [sflag:s0], s1  }
0x23b: {  	s1 =	ssub.s32 @!p0 $0x0, s1;
	[sflag:s0] =	ssyncset.done @!p0 $0x0  }
0x23c: {  	[sflag:s0] =	ssyncadd.s32 @!p0 s1  }
0x23d: {  	[bflag:$0x3] =	sbarrier.arrive $0xFFFF  }
0x23e: {  	_ =	shalt  }

</sc_bundles>
